<compile_context>
chip_gen: v7x
topology: tpu7x:2x2x1
jax: 0.10.2.dev20260603
libtpu: 0.0.44.dev20260713+nightly
codegen_flags: <defaults>
</compile_context>

<pallas_src>
import functools

import jax
import jax.numpy as jnp
from jax import lax
from jax.experimental import pallas as pl
from jax.experimental.pallas import tpu as pltpu
from jax.experimental.pallas import tpu_sc as plsc

N = 10000
NPAD = 10112
E = 160000
B, T = 4, 12
BT = B * T
HG = 64
HT = 128
NC, NS = 2, 16
RPT = NPAD // NS
NB1 = (E // (NC * NS) + 127) // 128
NB2 = 80
NB2H = NB2 // 2
G = 24
GPC = G // NC
DUMMY = N


def _sc_mesh():
    return plsc.VectorSubcoreMesh(
        core_axis_name="c", subcore_axis_name="s",
        num_cores=NC, num_subcores=NS)


def _agg1_body(x0_hbm, src_hbm, dst_hbm, z_hbm, out_hbm, src_v, dst_v, buf0_v,
               buf1_v, acc_sh, sem0, sem1):
    c = lax.axis_index("c")
    s = lax.axis_index("s")
    pltpu.sync_copy(src_hbm.at[c, s], src_v)
    pltpu.sync_copy(dst_hbm.at[c, s], dst_v)
    pltpu.sync_copy(z_hbm, acc_sh.at[pl.ds(s * RPT, RPT)])
    plsc.subcore_barrier()
    pltpu.make_async_copy(x0_hbm.at[src_v.at[0]], buf0_v, sem0).start()

    def pair(jj, _):
        j0 = 2 * jj
        pltpu.make_async_copy(
            x0_hbm.at[src_v.at[j0 + 1]], buf1_v, sem1).start()
        pltpu.make_async_copy(
            x0_hbm.at[src_v.at[j0]], buf0_v, sem0).wait()
        pltpu.sync_copy(buf0_v, acc_sh.at[dst_v.at[j0]], add=True)

        @pl.when(jj < NB1 // 2 - 1)
        def _():
            pltpu.make_async_copy(
                x0_hbm.at[src_v.at[j0 + 2]], buf0_v, sem0).start()
        pltpu.make_async_copy(
            x0_hbm.at[src_v.at[j0 + 1]], buf1_v, sem1).wait()
        pltpu.sync_copy(buf1_v, acc_sh.at[dst_v.at[j0 + 1]], add=True)
        return 0
    lax.fori_loop(0, NB1 // 2, pair, 0)
    plsc.subcore_barrier()
    pltpu.sync_copy(acc_sh.at[pl.ds(s * RPT, RPT)],
                    out_hbm.at[c, pl.ds(s * RPT, RPT)])


def _agg2_body(x1_hbm, src_hbm, dst_hbm, z_hbm, out_hbm, src_v, dst_v, buf0_v,
               buf1_v, acc_sh, sem0, sem1, sema0, sema1):
    c = lax.axis_index("c")
    s = lax.axis_index("s")

    def panel(gl, _):
        g = c * GPC + gl
        pltpu.sync_copy(z_hbm, acc_sh.at[pl.ds(s * RPT, RPT)])
        plsc.subcore_barrier()

        def half(hh, _):
            pltpu.sync_copy(src_hbm.at[s, pl.ds(hh * NB2H, NB2H)], src_v)
            pltpu.sync_copy(dst_hbm.at[s, pl.ds(hh * NB2H, NB2H)], dst_v)

            def scale(j, _):
                for cch in range(8):
                    sl = pl.ds(cch * 16, 16)
                    src_v[j, sl] = src_v[j, sl] * G + g
                return 0
            lax.fori_loop(0, NB2H, scale, 0)

            def body(j, _):
                pltpu.sync_copy(x1_hbm.at[src_v.at[j]], buf0_v)
                pltpu.sync_copy(buf0_v, acc_sh.at[dst_v.at[j]], add=True)
                return 0
            lax.fori_loop(0, NB2H, body, 0)
            return 0
        lax.fori_loop(0, 2, half, 0)
        plsc.subcore_barrier()
        rows = pl.ds(s * RPT, RPT)
        pltpu.sync_copy(acc_sh.at[rows], out_hbm.at[g, rows])
        return 0
    lax.fori_loop(0, GPC, panel, 0)


@functools.lru_cache(maxsize=None)
def _agg1_kernel():
    return pl.kernel(
        _agg1_body,
        out_type=jax.ShapeDtypeStruct((NC, NPAD, 128), jnp.float32),
        mesh=_sc_mesh(),
        scratch_types=[
            pltpu.VMEM((NB1, 128), jnp.int32),
            pltpu.VMEM((NB1, 128), jnp.int32),
            pltpu.VMEM((128, 128), jnp.float32),
            pltpu.VMEM((128, 128), jnp.float32),
            pltpu.VMEM_SHARED((NPAD, 128), jnp.float32),
            pltpu.SemaphoreType.DMA,
            pltpu.SemaphoreType.DMA,
        ],
    )


@functools.lru_cache(maxsize=None)
def _agg2_kernel():
    return pl.kernel(
        _agg2_body,
        out_type=jax.ShapeDtypeStruct((G, NPAD, 128), jnp.float32),
        mesh=_sc_mesh(),
        scratch_types=[
            pltpu.VMEM((NB2H, 128), jnp.int32),
            pltpu.VMEM((NB2H, 128), jnp.int32),
            pltpu.VMEM((128, 128), jnp.float32),
            pltpu.VMEM((128, 128), jnp.float32),
            pltpu.VMEM_SHARED((NPAD, 128), jnp.float32),
            pltpu.SemaphoreType.DMA,
            pltpu.SemaphoreType.DMA,
            pltpu.SemaphoreType.DMA,
            pltpu.SemaphoreType.DMA,
        ],
    )


def _agg1(x0aug, e1s, e1d):
    z = jnp.zeros((RPT, 128), jnp.float32)
    return _agg1_kernel()(x0aug, e1s, e1d, z)


def _agg2(x1r, e2s, e2d):
    z = jnp.zeros((RPT, 128), jnp.float32)
    return _agg2_kernel()(x1r, e2s, e2d, z)


def _dense1_body(a_ref, x_ref, wl_ref, wr_ref, bl_ref, g_ref, b_ref, o_ref):
    a = a_ref[0] + a_ref[1]
    cnt = jnp.maximum(a[:, 48:49], 1.0)
    agg = a[:, :BT] / cnt
    x0 = x_ref[:, :BT]
    h = (agg[:, :, None] * wl_ref[0][None, None, :]
         + x0[:, :, None] * wr_ref[0][None, None, :]
         + bl_ref[0][None, None, :])
    mu = jnp.mean(h, axis=-1, keepdims=True)
    var = jnp.mean((h - mu) ** 2, axis=-1, keepdims=True)
    x1 = (h - mu) / jnp.sqrt(var + 1e-5) * g_ref[0] + b_ref[0]
    o_ref[...] = jnp.maximum(x1, 0.0).astype(o_ref.dtype)


def _dense2_body(agg_ref, x1_ref, a_ref, wl_ref, wr_ref, bl_ref, g_ref,
                 b_ref, o_ref):
    i = pl.program_id(0)
    bn = x1_ref.shape[0]
    a = a_ref[0] + a_ref[1]
    inv = 1.0 / jnp.maximum(a[:, 48:49], 1.0)
    aggm = agg_ref[...] * inv[None, :, :]
    x1 = jnp.swapaxes(x1_ref[...], 0, 1)
    h = (jnp.einsum('gnk,kj->gnj', aggm, wl_ref[...],
                    preferred_element_type=jnp.float32)
         + jnp.einsum('gnk,kj->gnj', x1, wr_ref[...],
                      preferred_element_type=jnp.float32)
         + bl_ref[0][None, None, :])
    mul = jnp.mean(h[:, :, :HG], axis=-1, keepdims=True)
    mur = jnp.mean(h[:, :, HG:], axis=-1, keepdims=True)
    mu = jnp.concatenate([jnp.broadcast_to(mul, h[:, :, :HG].shape),
                          jnp.broadcast_to(mur, h[:, :, :HG].shape)], axis=-1)
    d = h - mu
    varl = jnp.mean(d[:, :, :HG] ** 2, axis=-1, keepdims=True)
    varr = jnp.mean(d[:, :, HG:] ** 2, axis=-1, keepdims=True)
    var = jnp.concatenate([jnp.broadcast_to(varl, d[:, :, :HG].shape),
                           jnp.broadcast_to(varr, d[:, :, :HG].shape)],
                          axis=-1)
    x2 = d / jnp.sqrt(var + 1e-5) * g_ref[0] + b_ref[0]
    x2 = jnp.maximum(x2, 0.0)
    node = lax.broadcasted_iota(jnp.int32, (1, bn, 1), 1) + i * bn
    x2 = jnp.where(node < N, x2, 0.0)
    part = jnp.sum(x2, axis=1)

    @pl.when(i == 0)
    def _():
        o_ref[...] = jnp.zeros_like(o_ref)
    o_ref[...] += part


def _gru_body(h_ref, wih_ref, whh_ref, bih_ref, bhh_ref, hw_ref, hb_ref,
              o_ref):
    Hm = h_ref[...] * (1.0 / N)
    h = jnp.zeros((B, HT), jnp.float32)
    for t in range(T):
        xt = Hm[t * B:(t + 1) * B]
        gi = jnp.dot(xt, wih_ref[...],
                     preferred_element_type=jnp.float32) + bih_ref[0]
        gh = jnp.dot(h, whh_ref[...],
                     preferred_element_type=jnp.float32) + bhh_ref[0]
        r = jax.nn.sigmoid(gi[:, :HT] + gh[:, :HT])
        z = jax.nn.sigmoid(gi[:, HT:2 * HT] + gh[:, HT:2 * HT])
        n = jnp.tanh(gi[:, 2 * HT:] + r * gh[:, 2 * HT:])
        h = (1.0 - z) * n + z * h
    hr = h.astype(jnp.bfloat16).astype(jnp.float32)
    wr = hw_ref[...].astype(jnp.bfloat16).astype(jnp.float32)
    y = jnp.sum(hr * wr, axis=1, keepdims=True) + hb_ref[0]
    o_ref[...] = jnp.broadcast_to(y, (B, HT))


def _pad_edges(e, per, width):
    n_chunks = e.shape[0] // per
    e = e.reshape(n_chunks, per)
    pad = width * 128 - per
    e = jnp.concatenate(
        [e, jnp.full((n_chunks, pad), DUMMY, jnp.int32)], axis=1)
    return e.reshape(n_chunks, width, 128)


def kernel(x_seq, edge_index, l1_wl, l1_bl, l1_wr, ln1_g, ln1_b, l2_wl,
           l2_bl, l2_wr, ln2_g, ln2_b, gru_w_ih, gru_w_hh, gru_b_ih,
           gru_b_hh, head_w, head_b):
    f32 = jnp.float32
    x0 = x_seq[..., 0].transpose(1, 0, 2).reshape(BT, N)
    x0aug = jnp.zeros((NPAD, 128), f32)
    x0aug = x0aug.at[:N, :BT].set(x0.T)
    x0aug = x0aug.at[:N, BT].set(1.0)
    src, dst = edge_index[0], edge_index[1]
    e1s = _pad_edges(src, E // (NC * NS), NB1).reshape(NC, NS, NB1, 128)
    e1d = _pad_edges(dst, E // (NC * NS), NB1).reshape(NC, NS, NB1, 128)
    e2s = _pad_edges(src, E // NS, NB2)
    e2d = _pad_edges(dst, E // NS, NB2)
    wl1 = l1_wl.T.astype(f32)
    wr1 = l1_wr.T.astype(f32)
    row = lambda v: v.reshape(1, -1).astype(f32)
    wihT = gru_w_ih.T.astype(f32)
    whhT = gru_w_hh.T.astype(f32)

    acc1 = _agg1(x0aug, e1s, e1d)

    BN = 128
    x1 = pl.pallas_call(
        _dense1_body,
        grid=(NPAD // BN,),
        in_specs=[
            pl.BlockSpec((NC, BN, 128), lambda i: (0, i, 0)),
            pl.BlockSpec((BN, 128), lambda i: (i, 0)),
            pl.BlockSpec((1, 64), lambda i: (0, 0)),
            pl.BlockSpec((1, 64), lambda i: (0, 0)),
            pl.BlockSpec((1, 64), lambda i: (0, 0)),
            pl.BlockSpec((1, 64), lambda i: (0, 0)),
            pl.BlockSpec((1, 64), lambda i: (0, 0)),
        ],
        out_specs=pl.BlockSpec((BN, BT, HG), lambda i: (i, 0, 0)),
        out_shape=jax.ShapeDtypeStruct((NPAD, BT, HG), f32),
    )(acc1, x0aug, wl1, wr1, row(l1_bl), row(ln1_g), row(ln1_b))

    x1r = x1.reshape(NPAD * G, 128)
    agg2 = _agg2(x1r, e2s, e2d)

    BN2 = 128
    bd = jnp.zeros((128, 128), f32)
    wl2bd = bd.at[:HG, :HG].set(l2_wl.T).at[HG:, HG:].set(l2_wl.T)
    wr2bd = bd.at[:HG, :HG].set(l2_wr.T).at[HG:, HG:].set(l2_wr.T)
    two = lambda v: jnp.concatenate([v, v]).reshape(1, 128).astype(f32)
    x1p = x1.reshape(NPAD, G, 128)
    hsum = pl.pallas_call(
        _dense2_body,
        grid=(NPAD // BN2,),
        in_specs=[
            pl.BlockSpec((G, BN2, 128), lambda i: (0, i, 0)),
            pl.BlockSpec((BN2, G, 128), lambda i: (i, 0, 0)),
            pl.BlockSpec((NC, BN2, 128), lambda i: (0, i, 0)),
            pl.BlockSpec((128, 128), lambda i: (0, 0)),
            pl.BlockSpec((128, 128), lambda i: (0, 0)),
            pl.BlockSpec((1, 128), lambda i: (0, 0)),
            pl.BlockSpec((1, 128), lambda i: (0, 0)),
            pl.BlockSpec((1, 128), lambda i: (0, 0)),
        ],
        out_specs=pl.BlockSpec((G, 128), lambda i: (0, 0)),
        out_shape=jax.ShapeDtypeStruct((G, 128), f32),
    )(agg2, x1p, acc1, wl2bd, wr2bd, two(l2_bl), two(ln2_g), two(ln2_b))
    hsum = hsum.reshape(BT, HG)

    yb = pl.pallas_call(
        _gru_body,
        in_specs=[
            pl.BlockSpec((BT, HG), lambda: (0, 0)),
            pl.BlockSpec((HG, 3 * HT), lambda: (0, 0)),
            pl.BlockSpec((HT, 3 * HT), lambda: (0, 0)),
            pl.BlockSpec((1, 3 * HT), lambda: (0, 0)),
            pl.BlockSpec((1, 3 * HT), lambda: (0, 0)),
            pl.BlockSpec((1, HT), lambda: (0, 0)),
            pl.BlockSpec((1, 1), lambda: (0, 0)),
        ],
        out_specs=pl.BlockSpec((B, HT), lambda: (0, 0)),
        out_shape=jax.ShapeDtypeStruct((B, HT), f32),
    )(hsum, wihT, whhT, row(gru_b_ih), row(gru_b_hh), head_w.astype(f32),
      head_b.reshape(1, 1).astype(f32))
    return yb[:, 0]

# --- scband reference (transcript-rebuilt; emitter-appended) ---
"""Pipeline reference for scband-sagegru-781684047907 (READ-ONLY COPY).

The authoritative reference and input builder live on the scoring server;
editing this copy changes nothing except your own understanding.
"""

import jax, jax.numpy as jnp
import numpy as np

B, T, N, F = 4, 12, 10000, 1
E = 160000
HG, HT = 64, 128

def _layernorm(x, g, b):
    mu = jnp.mean(x, axis=-1, keepdims=True)
    var = jnp.var(x, axis=-1, keepdims=True)
    return (x - mu) / jnp.sqrt(var + 1e-5) * g + b

def _gru_step(h, x, w_ih, w_hh, b_ih, b_hh):
    gi = x @ w_ih.T + b_ih
    gh = h @ w_hh.T + b_hh
    i_r, i_z, i_n = jnp.split(gi, 3, axis=-1)
    h_r, h_z, h_n = jnp.split(gh, 3, axis=-1)
    r = jax.nn.sigmoid(i_r + h_r)
    z = jax.nn.sigmoid(i_z + h_z)
    n = jnp.tanh(i_n + r * h_n)
    return (1.0 - z) * n + z * h

def setup_inputs(seed: int = 0):
    key = jax.random.key(seed)
    ks = jax.random.split(key, 24)
    inp = {}
    inp['x_seq'] = jax.random.normal(ks[0], (B, T, N, F), dtype=jnp.float32)
    inp['edge_index'] = jax.random.randint(ks[1], (2, E), 0, N, dtype=jnp.int32)
    s = 0.1
    inp['l1_wl'] = jax.random.normal(ks[2], (HG, F), dtype=jnp.float32) * s
    inp['l1_bl'] = jnp.zeros((HG,), dtype=jnp.float32)
    inp['l1_wr'] = jax.random.normal(ks[3], (HG, F), dtype=jnp.float32) * s
    inp['ln1_g'] = jnp.ones((HG,), dtype=jnp.float32)
    inp['ln1_b'] = jnp.zeros((HG,), dtype=jnp.float32)
    inp['l2_wl'] = jax.random.normal(ks[4], (HG, HG), dtype=jnp.float32) * s
    inp['l2_bl'] = jnp.zeros((HG,), dtype=jnp.float32)
    inp['l2_wr'] = jax.random.normal(ks[5], (HG, HG), dtype=jnp.float32) * s
    inp['ln2_g'] = jnp.ones((HG,), dtype=jnp.float32)
    inp['ln2_b'] = jnp.zeros((HG,), dtype=jnp.float32)
    inp['gru_w_ih'] = jax.random.normal(ks[6], (3 * HT, HG), dtype=jnp.float32) * s
    inp['gru_w_hh'] = jax.random.normal(ks[7], (3 * HT, HT), dtype=jnp.float32) * s
    inp['gru_b_ih'] = jnp.zeros((3 * HT,), dtype=jnp.float32)
    inp['gru_b_hh'] = jnp.zeros((3 * HT,), dtype=jnp.float32)
    inp['head_w'] = jax.random.normal(ks[8], (1, HT), dtype=jnp.float32) * s
    inp['head_b'] = jnp.zeros((1,), dtype=jnp.float32)
    return inp

def reference(x_seq, edge_index, l1_wl, l1_bl, l1_wr, ln1_g, ln1_b, l2_wl, l2_bl, l2_wr, ln2_g, ln2_b, gru_w_ih, gru_w_hh, gru_b_ih, gru_b_hh, head_w, head_b):
    Bx, Tx, Nx, Fx = x_seq.shape
    Ex = edge_index.shape[1]
    NB = Bx * Nx
    offs = jnp.repeat(jnp.arange(Bx, dtype=edge_index.dtype) * Nx, Ex)
    ei = jnp.tile(edge_index, (1, Bx)) + offs[None, :]
    src, dst = ei[0], ei[1]
    ones = jnp.ones((src.shape[0],), dtype=jnp.float32)
    cnt = jax.ops.segment_sum(ones, dst, num_segments=NB)
    cnt = jnp.clip(cnt, 1.0)[:, None]
    layers = [(l1_wl, l1_bl, l1_wr, ln1_g, ln1_b), (l2_wl, l2_bl, l2_wr, ln2_g, ln2_b)]
    Hs = []
    for t in range(Tx):
        xt = x_seq[:, t].reshape(NB, Fx)
        for (wl, bl, wr, g, b) in layers:
            agg = jax.ops.segment_sum(xt[src], dst, num_segments=NB) / cnt
            h = agg @ wl.T + bl + xt @ wr.T
            xt = jax.nn.relu(_layernorm(h, g, b))
        Hs.append(xt.reshape(Bx, Nx, -1).mean(axis=1))
    H = jnp.stack(Hs, axis=1)
    h = jnp.zeros((Bx, gru_w_hh.shape[1]), dtype=jnp.float32)
    for t in range(Tx):
        h = _gru_step(h, H[:, t], gru_w_ih, gru_w_hh, gru_b_ih, gru_b_hh)
    y = (h @ head_w.T + head_b).squeeze(-1)
    return y

if __name__ == "__main__":
    import jax
    _d = setup_inputs()
    print(jax.jit(kernel)(*tuple(_d.values())))

</pallas_src>

<mosaic_0001>
#map = affine_map<(d0, d1) -> (0, 0)>
#map1 = affine_map<(d0, d1) -> (0, 0, 0)>
module attributes {stable_mosaic.version = 14 : i64} {
  func.func @_agg2_body(%arg0: i32, %arg1: i32, %arg2: memref<242688x128xf32, #tpu.memory_space<hbm>>, %arg3: memref<16x80x128xi32, #tpu.memory_space<hbm>>, %arg4: memref<16x80x128xi32, #tpu.memory_space<hbm>>, %arg5: memref<632x128xf32, #tpu.memory_space<hbm>>, %arg6: memref<24x10112x128xf32, #tpu.memory_space<hbm>>, %arg7: memref<40x128xi32, #tpu.memory_space<vmem>>, %arg8: memref<40x128xi32, #tpu.memory_space<vmem>>, %arg9: memref<128x128xf32, #tpu.memory_space<vmem>>, %arg10: memref<128x128xf32, #tpu.memory_space<vmem>>, %arg11: memref<10112x128xf32, #tpu.memory_space<vmem_shared>>, %arg12: memref<!tpu.dma_semaphore, #tpu.memory_space<semaphore_mem>>, %arg13: memref<!tpu.dma_semaphore, #tpu.memory_space<semaphore_mem>>, %arg14: memref<!tpu.dma_semaphore, #tpu.memory_space<semaphore_mem>>, %arg15: memref<!tpu.dma_semaphore, #tpu.memory_space<semaphore_mem>>) attributes {dimension_semantics = [#tpu.dimension_semantics<core_parallel>, #tpu.dimension_semantics<subcore_parallel>], iteration_bounds = array<i64: 2, 16>, scalar_prefetch = 0 : i64, scratch_operands = 9 : i64, tpu.core_type = #tpu.core_type<sc_vector_subcore>, window_params = [{transform_indices = #map}, {transform_indices = #map1}, {transform_indices = #map1}, {transform_indices = #map}, {transform_indices = #map1}]} {
    %scan3A = arith.constant 0 : i32
    %scan3A_0 = arith.constant 0 : i32
    %scan3A_1 = arith.constant 12 : i32
    %scan3A_2 = arith.addi %scan3A_0, %scan3A_1 : i32
    %scan3A_3 = arith.constant 1 : i32
    %scan3A_4 = scf.for %scan3A_6 = %scan3A_0 to %scan3A_2 step %scan3A_3 iter_args(%scan3A_7 = %scan3A) -> (i32)  : i32 {
      %mul3A = arith.constant 12 : i32
      %mul3A_8 = arith.muli %arg0, %mul3A : i32
      %add3A = arith.addi %mul3A_8, %scan3A_6 : i32
      %mul3A_9 = arith.constant 632 : i32
      %mul3A_10 = arith.muli %arg1, %mul3A_9 : i32
      "tpu.region"() ({
        %run_scoped3A = tpu.sem_alloc : memref<!tpu.dma_semaphore, #tpu.memory_space<semaphore_mem>>
        %dma_start3A = arith.constant 0 : i32
        %dma_start3A_22 = tpu.memref_slice %arg11[%mul3A_10, %dma_start3A] : memref<10112x128xf32, #tpu.memory_space<vmem_shared>> -> memref<632x128xf32, #tpu.memory_space<vmem_shared>>
        tpu.enqueue_dma source(%arg5 : memref<632x128xf32, #tpu.memory_space<hbm>>) target(%dma_start3A_22 : memref<632x128xf32, #tpu.memory_space<vmem_shared>>) target_semaphore(%run_scoped3A : memref<!tpu.dma_semaphore, #tpu.memory_space<semaphore_mem>>)
        %dma_wait3A = arith.constant 0 : i32
        %dma_wait3A_23 = tpu.memref_slice %arg11[%mul3A_10, %dma_wait3A] : memref<10112x128xf32, #tpu.memory_space<vmem_shared>> -> memref<632x128xf32, #tpu.memory_space<vmem_shared>>
        tpu.wait_dma2 semaphore(%run_scoped3A : memref<!tpu.dma_semaphore, #tpu.memory_space<semaphore_mem>>) src(%arg5 : memref<632x128xf32, #tpu.memory_space<hbm>>) dst(%dma_wait3A_23 : memref<632x128xf32, #tpu.memory_space<vmem_shared>>)
        tpu.yield
      }) : () -> ()
      %barrier3A = arith.constant 0 : index
      tpu.barrier barrier_id(%barrier3A)
      %scan3A_11 = arith.constant 0 : i32
      %scan3A_12 = arith.constant 0 : i32
      %scan3A_13 = arith.constant 2 : i32
      %scan3A_14 = arith.addi %scan3A_12, %scan3A_13 : i32
      %scan3A_15 = arith.constant 1 : i32
      %scan3A_16 = scf.for %scan3A_22 = %scan3A_12 to %scan3A_14 step %scan3A_15 iter_args(%scan3A_23 = %scan3A_11) -> (i32)  : i32 {
        %mul3A_24 = arith.constant 40 : i32
        %mul3A_25 = arith.muli %scan3A_22, %mul3A_24 : i32
        "tpu.region"() ({
          %run_scoped3A = tpu.sem_alloc : memref<!tpu.dma_semaphore, #tpu.memory_space<semaphore_mem>>
          %dma_start3A = arith.constant 0 : i32
          %dma_start3A_43 = tpu.memref_slice %arg3[%arg1, %mul3A_25, %dma_start3A] : memref<16x80x128xi32, #tpu.memory_space<hbm>> -> memref<1x40x128xi32, #tpu.memory_space<hbm>>
          %dma_start3A_44 = tpu.memref_squeeze %dma_start3A_43 : memref<1x40x128xi32, #tpu.memory_space<hbm>> -> memref<40x128xi32, #tpu.memory_space<hbm>>
          %dma_start3A_45 = arith.constant 0 : i32
          %dma_start3A_46 = tpu.memref_slice %arg3[%arg1, %mul3A_25, %dma_start3A_45] : memref<16x80x128xi32, #tpu.memory_space<hbm>> -> memref<1x40x128xi32, #tpu.memory_space<hbm>>
          %dma_start3A_47 = tpu.memref_squeeze %dma_start3A_46 : memref<1x40x128xi32, #tpu.memory_space<hbm>> -> memref<40x128xi32, #tpu.memory_space<hbm>>
          tpu.enqueue_dma source(%dma_start3A_47 : memref<40x128xi32, #tpu.memory_space<hbm>>) target(%arg7 : memref<40x128xi32, #tpu.memory_space<vmem>>) target_semaphore(%run_scoped3A : memref<!tpu.dma_semaphore, #tpu.memory_space<semaphore_mem>>)
          %dma_wait3A = arith.constant 0 : i32
          %dma_wait3A_48 = tpu.memref_slice %arg3[%arg1, %mul3A_25, %dma_wait3A] : memref<16x80x128xi32, #tpu.memory_space<hbm>> -> memref<1x40x128xi32, #tpu.memory_space<hbm>>
          %dma_wait3A_49 = tpu.memref_squeeze %dma_wait3A_48 : memref<1x40x128xi32, #tpu.memory_space<hbm>> -> memref<40x128xi32, #tpu.memory_space<hbm>>
          %dma_wait3A_50 = arith.constant 0 : i32
          %dma_wait3A_51 = tpu.memref_slice %arg3[%arg1, %mul3A_25, %dma_wait3A_50] : memref<16x80x128xi32, #tpu.memory_space<hbm>> -> memref<1x40x128xi32, #tpu.memory_space<hbm>>
          %dma_wait3A_52 = tpu.memref_squeeze %dma_wait3A_51 : memref<1x40x128xi32, #tpu.memory_space<hbm>> -> memref<40x128xi32, #tpu.memory_space<hbm>>
          tpu.wait_dma2 semaphore(%run_scoped3A : memref<!tpu.dma_semaphore, #tpu.memory_space<semaphore_mem>>) src(%dma_wait3A_52 : memref<40x128xi32, #tpu.memory_space<hbm>>) dst(%arg7 : memref<40x128xi32, #tpu.memory_space<vmem>>)
          tpu.yield
        }) : () -> ()
        %mul3A_26 = arith.constant 40 : i32
        %mul3A_27 = arith.muli %scan3A_22, %mul3A_26 : i32
        "tpu.region"() ({
          %run_scoped3A = tpu.sem_alloc : memref<!tpu.dma_semaphore, #tpu.memory_space<semaphore_mem>>
          %dma_start3A = arith.constant 0 : i32
          %dma_start3A_43 = tpu.memref_slice %arg4[%arg1, %mul3A_27, %dma_start3A] : memref<16x80x128xi32, #tpu.memory_space<hbm>> -> memref<1x40x128xi32, #tpu.memory_space<hbm>>
          %dma_start3A_44 = tpu.memref_squeeze %dma_start3A_43 : memref<1x40x128xi32, #tpu.memory_space<hbm>> -> memref<40x128xi32, #tpu.memory_space<hbm>>
          %dma_start3A_45 = arith.constant 0 : i32
          %dma_start3A_46 = tpu.memref_slice %arg4[%arg1, %mul3A_27, %dma_start3A_45] : memref<16x80x128xi32, #tpu.memory_space<hbm>> -> memref<1x40x128xi32, #tpu.memory_space<hbm>>
          %dma_start3A_47 = tpu.memref_squeeze %dma_start3A_46 : memref<1x40x128xi32, #tpu.memory_space<hbm>> -> memref<40x128xi32, #tpu.memory_space<hbm>>
          tpu.enqueue_dma source(%dma_start3A_47 : memref<40x128xi32, #tpu.memory_space<hbm>>) target(%arg8 : memref<40x128xi32, #tpu.memory_space<vmem>>) target_semaphore(%run_scoped3A : memref<!tpu.dma_semaphore, #tpu.memory_space<semaphore_mem>>)
          %dma_wait3A = arith.constant 0 : i32
          %dma_wait3A_48 = tpu.memref_slice %arg4[%arg1, %mul3A_27, %dma_wait3A] : memref<16x80x128xi32, #tpu.memory_space<hbm>> -> memref<1x40x128xi32, #tpu.memory_space<hbm>>
          %dma_wait3A_49 = tpu.memref_squeeze %dma_wait3A_48 : memref<1x40x128xi32, #tpu.memory_space<hbm>> -> memref<40x128xi32, #tpu.memory_space<hbm>>
          %dma_wait3A_50 = arith.constant 0 : i32
          %dma_wait3A_51 = tpu.memref_slice %arg4[%arg1, %mul3A_27, %dma_wait3A_50] : memref<16x80x128xi32, #tpu.memory_space<hbm>> -> memref<1x40x128xi32, #tpu.memory_space<hbm>>
          %dma_wait3A_52 = tpu.memref_squeeze %dma_wait3A_51 : memref<1x40x128xi32, #tpu.memory_space<hbm>> -> memref<40x128xi32, #tpu.memory_space<hbm>>
          tpu.wait_dma2 semaphore(%run_scoped3A : memref<!tpu.dma_semaphore, #tpu.memory_space<semaphore_mem>>) src(%dma_wait3A_52 : memref<40x128xi32, #tpu.memory_space<hbm>>) dst(%arg8 : memref<40x128xi32, #tpu.memory_space<vmem>>)
          tpu.yield
        }) : () -> ()
        %scan3A_28 = arith.constant 0 : i32
        %scan3A_29 = arith.constant 0 : i32
        %scan3A_30 = arith.constant 40 : i32
        %scan3A_31 = arith.addi %scan3A_29, %scan3A_30 : i32
        %scan3A_32 = arith.constant 1 : i32
        %scan3A_33 = scf.for %scan3A_43 = %scan3A_29 to %scan3A_31 step %scan3A_32 iter_args(%scan3A_44 = %scan3A_28) -> (i32)  : i32 {
          %get3A = arith.index_cast %scan3A_43 : i32 to index
          %get3A_45 = arith.constant 0 : index
          %get3A_46 = tpu.vector_load %arg7[%get3A, %get3A_45] {strides = array<i32>} : memref<40x128xi32, #tpu.memory_space<vmem>>, vector<1x16xi32>,
          %get3A_47 = vector.shape_cast %get3A_46 : vector<1x16xi32> to vector<16xi32>
          %mul3A_48 = arith.constant 24 : i32
          %mul3A_49 = vector.broadcast %mul3A_48 : i32 to vector<16xi32>
          %mul3A_50 = arith.muli %get3A_47, %mul3A_49 : vector<16xi32>
          %add3A_51 = vector.broadcast %add3A : i32 to vector<16xi32>
          %add3A_52 = arith.addi %mul3A_50, %add3A_51 : vector<16xi32>
          %swap3A = arith.index_cast %scan3A_43 : i32 to index
          %swap3A_53 = arith.constant 0 : index
          %swap3A_54 = tpu.vector_load %arg7[%swap3A, %swap3A_53] {strides = array<i32>} : memref<40x128xi32, #tpu.memory_space<vmem>>, vector<1x16xi32>,
          %swap3A_55 = vector.shape_cast %swap3A_54 : vector<1x16xi32> to vector<16xi32>
          %swap3A_56 = vector.shape_cast %add3A_52 : vector<16xi32> to vector<1x16xi32>
          tpu.vector_store %arg7[%swap3A, %swap3A_53], %swap3A_56 {strides = array<i32>} : memref<40x128xi32, #tpu.memory_space<vmem>>, vector<1x16xi32>,
          %get3A_57 = arith.index_cast %scan3A_43 : i32 to index
          %get3A_58 = arith.constant 16 : index
          %get3A_59 = tpu.vector_load %arg7[%get3A_57, %get3A_58] {strides = array<i32>} : memref<40x128xi32, #tpu.memory_space<vmem>>, vector<1x16xi32>,
          %get3A_60 = vector.shape_cast %get3A_59 : vector<1x16xi32> to vector<16xi32>
          %mul3A_61 = arith.constant 24 : i32
          %mul3A_62 = vector.broadcast %mul3A_61 : i32 to vector<16xi32>
          %mul3A_63 = arith.muli %get3A_60, %mul3A_62 : vector<16xi32>
          %add3A_64 = vector.broadcast %add3A : i32 to vector<16xi32>
          %add3A_65 = arith.addi %mul3A_63, %add3A_64 : vector<16xi32>
          %swap3A_66 = arith.index_cast %scan3A_43 : i32 to index
          %swap3A_67 = arith.constant 16 : index
          %swap3A_68 = tpu.vector_load %arg7[%swap3A_66, %swap3A_67] {strides = array<i32>} : memref<40x128xi32, #tpu.memory_space<vmem>>, vector<1x16xi32>,
          %swap3A_69 = vector.shape_cast %swap3A_68 : vector<1x16xi32> to vector<16xi32>
          %swap3A_70 = vector.shape_cast %add3A_65 : vector<16xi32> to vector<1x16xi32>
          tpu.vector_store %arg7[%swap3A_66, %swap3A_67], %swap3A_70 {strides = array<i32>} : memref<40x128xi32, #tpu.memory_space<vmem>>, vector<1x16xi32>,
          %get3A_71 = arith.index_cast %scan3A_43 : i32 to index
          %get3A_72 = arith.constant 32 : index
          %get3A_73 = tpu.vector_load %arg7[%get3A_71, %get3A_72] {strides = array<i32>} : memref<40x128xi32, #tpu.memory_space<vmem>>, vector<1x16xi32>,
          %get3A_74 = vector.shape_cast %get3A_73 : vector<1x16xi32> to vector<16xi32>
          %mul3A_75 = arith.constant 24 : i32
          %mul3A_76 = vector.broadcast %mul3A_75 : i32 to vector<16xi32>
          %mul3A_77 = arith.muli %get3A_74, %mul3A_76 : vector<16xi32>
          %add3A_78 = vector.broadcast %add3A : i32 to vector<16xi32>
          %add3A_79 = arith.addi %mul3A_77, %add3A_78 : vector<16xi32>
          %swap3A_80 = arith.index_cast %scan3A_43 : i32 to index
          %swap3A_81 = arith.constant 32 : index
          %swap3A_82 = tpu.vector_load %arg7[%swap3A_80, %swap3A_81] {strides = array<i32>} : memref<40x128xi32, #tpu.memory_space<vmem>>, vector<1x16xi32>,
          %swap3A_83 = vector.shape_cast %swap3A_82 : vector<1x16xi32> to vector<16xi32>
          %swap3A_84 = vector.shape_cast %add3A_79 : vector<16xi32> to vector<1x16xi32>
          tpu.vector_store %arg7[%swap3A_80, %swap3A_81], %swap3A_84 {strides = array<i32>} : memref<40x128xi32, #tpu.memory_space<vmem>>, vector<1x16xi32>,
          %get3A_85 = arith.index_cast %scan3A_43 : i32 to index
          %get3A_86 = arith.constant 48 : index
          %get3A_87 = tpu.vector_load %arg7[%get3A_85, %get3A_86] {strides = array<i32>} : memref<40x128xi32, #tpu.memory_space<vmem>>, vector<1x16xi32>,
          %get3A_88 = vector.shape_cast %get3A_87 : vector<1x16xi32> to vector<16xi32>
          %mul3A_89 = arith.constant 24 : i32
          %mul3A_90 = vector.broadcast %mul3A_89 : i32 to vector<16xi32>
          %mul3A_91 = arith.muli %get3A_88, %mul3A_90 : vector<16xi32>
          %add3A_92 = vector.broadcast %add3A : i32 to vector<16xi32>
          %add3A_93 = arith.addi %mul3A_91, %add3A_92 : vector<16xi32>
          %swap3A_94 = arith.index_cast %scan3A_43 : i32 to index
          %swap3A_95 = arith.constant 48 : index
          %swap3A_96 = tpu.vector_load %arg7[%swap3A_94, %swap3A_95] {strides = array<i32>} : memref<40x128xi32, #tpu.memory_space<vmem>>, vector<1x16xi32>,
          %swap3A_97 = vector.shape_cast %swap3A_96 : vector<1x16xi32> to vector<16xi32>
          %swap3A_98 = vector.shape_cast %add3A_93 : vector<16xi32> to vector<1x16xi32>
          tpu.vector_store %arg7[%swap3A_94, %swap3A_95], %swap3A_98 {strides = array<i32>} : memref<40x128xi32, #tpu.memory_space<vmem>>, vector<1x16xi32>,
          %get3A_99 = arith.index_cast %scan3A_43 : i32 to index
          %get3A_100 = arith.constant 64 : index
          %get3A_101 = tpu.vector_load %arg7[%get3A_99, %get3A_100] {strides = array<i32>} : memref<40x128xi32, #tpu.memory_space<vmem>>, vector<1x16xi32>,
          %get3A_102 = vector.shape_cast %get3A_101 : vector<1x16xi32> to vector<16xi32>
          %mul3A_103 = arith.constant 24 : i32
          %mul3A_104 = vector.broadcast %mul3A_103 : i32 to vector<16xi32>
          %mul3A_105 = arith.muli %get3A_102, %mul3A_104 : vector<16xi32>
          %add3A_106 = vector.broadcast %add3A : i32 to vector<16xi32>
          %add3A_107 = arith.addi %mul3A_105, %add3A_106 : vector<16xi32>
          %swap3A_108 = arith.index_cast %scan3A_43 : i32 to index
          %swap3A_109 = arith.constant 64 : index
          %swap3A_110 = tpu.vector_load %arg7[%swap3A_108, %swap3A_109] {strides = array<i32>} : memref<40x128xi32, #tpu.memory_space<vmem>>, vector<1x16xi32>,
          %swap3A_111 = vector.shape_cast %swap3A_110 : vector<1x16xi32> to vector<16xi32>
          %swap3A_112 = vector.shape_cast %add3A_107 : vector<16xi32> to vector<1x16xi32>
          tpu.vector_store %arg7[%swap3A_108, %swap3A_109], %swap3A_112 {strides = array<i32>} : memref<40x128xi32, #tpu.memory_space<vmem>>, vector<1x16xi32>,
          %get3A_113 = arith.index_cast %scan3A_43 : i32 to index
          %get3A_114 = arith.constant 80 : index
          %get3A_115 = tpu.vector_load %arg7[%get3A_113, %get3A_114] {strides = array<i32>} : memref<40x128xi32, #tpu.memory_space<vmem>>, vector<1x16xi32>,
          %get3A_116 = vector.shape_cast %get3A_115 : vector<1x16xi32> to vector<16xi32>
          %mul3A_117 = arith.constant 24 : i32
          %mul3A_118 = vector.broadcast %mul3A_117 : i32 to vector<16xi32>
          %mul3A_119 = arith.muli %get3A_116, %mul3A_118 : vector<16xi32>
          %add3A_120 = vector.broadcast %add3A : i32 to vector<16xi32>
          %add3A_121 = arith.addi %mul3A_119, %add3A_120 : vector<16xi32>
          %swap3A_122 = arith.index_cast %scan3A_43 : i32 to index
          %swap3A_123 = arith.constant 80 : index
          %swap3A_124 = tpu.vector_load %arg7[%swap3A_122, %swap3A_123] {strides = array<i32>} : memref<40x128xi32, #tpu.memory_space<vmem>>, vector<1x16xi32>,
          %swap3A_125 = vector.shape_cast %swap3A_124 : vector<1x16xi32> to vector<16xi32>
          %swap3A_126 = vector.shape_cast %add3A_121 : vector<16xi32> to vector<1x16xi32>
          tpu.vector_store %arg7[%swap3A_122, %swap3A_123], %swap3A_126 {strides = array<i32>} : memref<40x128xi32, #tpu.memory_space<vmem>>, vector<1x16xi32>,
          %get3A_127 = arith.index_cast %scan3A_43 : i32 to index
          %get3A_128 = arith.constant 96 : index
          %get3A_129 = tpu.vector_load %arg7[%get3A_127, %get3A_128] {strides = array<i32>} : memref<40x128xi32, #tpu.memory_space<vmem>>, vector<1x16xi32>,
          %get3A_130 = vector.shape_cast %get3A_129 : vector<1x16xi32> to vector<16xi32>
          %mul3A_131 = arith.constant 24 : i32
          %mul3A_132 = vector.broadcast %mul3A_131 : i32 to vector<16xi32>
          %mul3A_133 = arith.muli %get3A_130, %mul3A_132 : vector<16xi32>
          %add3A_134 = vector.broadcast %add3A : i32 to vector<16xi32>
          %add3A_135 = arith.addi %mul3A_133, %add3A_134 : vector<16xi32>
          %swap3A_136 = arith.index_cast %scan3A_43 : i32 to index
          %swap3A_137 = arith.constant 96 : index
          %swap3A_138 = tpu.vector_load %arg7[%swap3A_136, %swap3A_137] {strides = array<i32>} : memref<40x128xi32, #tpu.memory_space<vmem>>, vector<1x16xi32>,
          %swap3A_139 = vector.shape_cast %swap3A_138 : vector<1x16xi32> to vector<16xi32>
          %swap3A_140 = vector.shape_cast %add3A_135 : vector<16xi32> to vector<1x16xi32>
          tpu.vector_store %arg7[%swap3A_136, %swap3A_137], %swap3A_140 {strides = array<i32>} : memref<40x128xi32, #tpu.memory_space<vmem>>, vector<1x16xi32>,
          %get3A_141 = arith.index_cast %scan3A_43 : i32 to index
          %get3A_142 = arith.constant 112 : index
          %get3A_143 = tpu.vector_load %arg7[%get3A_141, %get3A_142] {strides = array<i32>} : memref<40x128xi32, #tpu.memory_space<vmem>>, vector<1x16xi32>,
          %get3A_144 = vector.shape_cast %get3A_143 : vector<1x16xi32> to vector<16xi32>
          %mul3A_145 = arith.constant 24 : i32
          %mul3A_146 = vector.broadcast %mul3A_145 : i32 to vector<16xi32>
          %mul3A_147 = arith.muli %get3A_144, %mul3A_146 : vector<16xi32>
          %add3A_148 = vector.broadcast %add3A : i32 to vector<16xi32>
          %add3A_149 = arith.addi %mul3A_147, %add3A_148 : vector<16xi32>
          %swap3A_150 = arith.index_cast %scan3A_43 : i32 to index
          %swap3A_151 = arith.constant 112 : index
          %swap3A_152 = tpu.vector_load %arg7[%swap3A_150, %swap3A_151] {strides = array<i32>} : memref<40x128xi32, #tpu.memory_space<vmem>>, vector<1x16xi32>,
          %swap3A_153 = vector.shape_cast %swap3A_152 : vector<1x16xi32> to vector<16xi32>
          %swap3A_154 = vector.shape_cast %add3A_149 : vector<16xi32> to vector<1x16xi32>
          tpu.vector_store %arg7[%swap3A_150, %swap3A_151], %swap3A_154 {strides = array<i32>} : memref<40x128xi32, #tpu.memory_space<vmem>>, vector<1x16xi32>,
          %scan3A_155 = arith.constant 0 : i32
          scf.yield %scan3A_155 : i32
        }
        %scan3A_34 = arith.constant 40 : i32
        %scan3A_35 = arith.constant 0 : i32
        %scan3A_36 = arith.constant 0 : i32
        %scan3A_37 = arith.constant 40 : i32
        %scan3A_38 = arith.addi %scan3A_36, %scan3A_37 : i32
        %scan3A_39 = arith.constant 1 : i32
        %scan3A_40 = scf.for %scan3A_43 = %scan3A_36 to %scan3A_38 step %scan3A_39 iter_args(%scan3A_44 = %scan3A_35) -> (i32)  : i32 {
          "tpu.region"() ({
            %run_scoped3A = tpu.sem_alloc : memref<!tpu.dma_semaphore, #tpu.memory_space<semaphore_mem>>
            %dma_start3A = arith.constant 0 : i32
            %dma_start3A_46 = tpu.memref_slice %arg7[%scan3A_43, %dma_start3A] : memref<40x128xi32, #tpu.memory_space<vmem>> -> memref<1x128xi32, #tpu.memory_space<vmem>>
            %dma_start3A_47 = tpu.memref_squeeze %dma_start3A_46 : memref<1x128xi32, #tpu.memory_space<vmem>> -> memref<128xi32, #tpu.memory_space<vmem>>
            %dma_start3A_48 = arith.constant 0 : i32
            %dma_start3A_49 = arith.constant 0 : i32
            %dma_start3A_50 = tpu.memref_slice %arg2[%dma_start3A_48, %dma_start3A_49] : memref<242688x128xf32, #tpu.memory_space<hbm>> -> memref<242688x128xf32, #tpu.memory_space<hbm>>
            tpu.enqueue_indirect_dma source(%dma_start3A_50 : memref<242688x128xf32, #tpu.memory_space<hbm>>) target(%arg9 : memref<128x128xf32, #tpu.memory_space<vmem>>) offsets(%dma_start3A_47 : memref<128xi32, #tpu.memory_space<vmem>>) semaphore(%run_scoped3A : memref<!tpu.dma_semaphore, #tpu.memory_space<semaphore_mem>>)
            %dma_wait3A = arith.constant 0 : i32
            %dma_wait3A_51 = tpu.memref_slice %arg7[%scan3A_43, %dma_wait3A] : memref<40x128xi32, #tpu.memory_space<vmem>> -> memref<1x128xi32, #tpu.memory_space<vmem>>
            %dma_wait3A_52 = tpu.memref_squeeze %dma_wait3A_51 : memref<1x128xi32, #tpu.memory_space<vmem>> -> memref<128xi32, #tpu.memory_space<vmem>>
            %dma_wait3A_53 = arith.constant 0 : i32
            %dma_wait3A_54 = arith.constant 0 : i32
            %dma_wait3A_55 = tpu.memref_slice %arg2[%dma_wait3A_53, %dma_wait3A_54] : memref<242688x128xf32, #tpu.memory_space<hbm>> -> memref<242688x128xf32, #tpu.memory_space<hbm>>
            tpu.wait_indirect_dma semaphore(%run_scoped3A : memref<!tpu.dma_semaphore, #tpu.memory_space<semaphore_mem>>) src(%dma_wait3A_55 : memref<242688x128xf32, #tpu.memory_space<hbm>>) dst(%arg9 : memref<128x128xf32, #tpu.memory_space<vmem>>)
            tpu.yield
          }) : () -> ()
          "tpu.region"() ({
            %run_scoped3A = tpu.sem_alloc : memref<!tpu.dma_semaphore, #tpu.memory_space<semaphore_mem>>
            %dma_start3A = arith.constant 0 : i32
            %dma_start3A_46 = tpu.memref_slice %arg8[%scan3A_43, %dma_start3A] : memref<40x128xi32, #tpu.memory_space<vmem>> -> memref<1x128xi32, #tpu.memory_space<vmem>>
            %dma_start3A_47 = tpu.memref_squeeze %dma_start3A_46 : memref<1x128xi32, #tpu.memory_space<vmem>> -> memref<128xi32, #tpu.memory_space<vmem>>
            %dma_start3A_48 = arith.constant 0 : i32
            %dma_start3A_49 = arith.constant 0 : i32
            %dma_start3A_50 = tpu.memref_slice %arg11[%dma_start3A_48, %dma_start3A_49] : memref<10112x128xf32, #tpu.memory_space<vmem_shared>> -> memref<10112x128xf32, #tpu.memory_space<vmem_shared>>
            tpu.enqueue_indirect_dma source(%arg9 : memref<128x128xf32, #tpu.memory_space<vmem>>) target(%dma_start3A_50 : memref<10112x128xf32, #tpu.memory_space<vmem_shared>>) offsets(%dma_start3A_47 : memref<128xi32, #tpu.memory_space<vmem>>) semaphore(%run_scoped3A : memref<!tpu.dma_semaphore, #tpu.memory_space<semaphore_mem>>) {add = true}
            %dma_wait3A = arith.constant 0 : i32
            %dma_wait3A_51 = tpu.memref_slice %arg8[%scan3A_43, %dma_wait3A] : memref<40x128xi32, #tpu.memory_space<vmem>> -> memref<1x128xi32, #tpu.memory_space<vmem>>
            %dma_wait3A_52 = tpu.memref_squeeze %dma_wait3A_51 : memref<1x128xi32, #tpu.memory_space<vmem>> -> memref<128xi32, #tpu.memory_space<vmem>>
            %dma_wait3A_53 = arith.constant 0 : i32
            %dma_wait3A_54 = arith.constant 0 : i32
            %dma_wait3A_55 = tpu.memref_slice %arg11[%dma_wait3A_53, %dma_wait3A_54] : memref<10112x128xf32, #tpu.memory_space<vmem_shared>> -> memref<10112x128xf32, #tpu.memory_space<vmem_shared>>
            tpu.wait_indirect_dma semaphore(%run_scoped3A : memref<!tpu.dma_semaphore, #tpu.memory_space<semaphore_mem>>) src(%arg9 : memref<128x128xf32, #tpu.memory_space<vmem>>) dst(%dma_wait3A_55 : memref<10112x128xf32, #tpu.memory_space<vmem_shared>>)
            tpu.yield
          }) : () -> ()
          %scan3A_45 = arith.constant 0 : i32
          scf.yield %scan3A_45 : i32
        }
        %scan3A_41 = arith.constant 40 : i32
        %scan3A_42 = arith.constant 0 : i32
        scf.yield %scan3A_42 : i32
      }
      %scan3A_17 = arith.constant 2 : i32
      %barrier3A_18 = arith.constant 0 : index
      tpu.barrier barrier_id(%barrier3A_18)
      %mul3A_19 = arith.constant 632 : i32
      %mul3A_20 = arith.muli %arg1, %mul3A_19 : i32
      "tpu.region"() ({
        %run_scoped3A = tpu.sem_alloc : memref<!tpu.dma_semaphore, #tpu.memory_space<semaphore_mem>>
        %dma_start3A = arith.constant 0 : i32
        %dma_start3A_22 = tpu.memref_slice %arg6[%add3A, %mul3A_20, %dma_start3A] : memref<24x10112x128xf32, #tpu.memory_space<hbm>> -> memref<1x632x128xf32, #tpu.memory_space<hbm>>
        %dma_start3A_23 = tpu.memref_squeeze %dma_start3A_22 : memref<1x632x128xf32, #tpu.memory_space<hbm>> -> memref<632x128xf32, #tpu.memory_space<hbm>>
        %dma_start3A_24 = arith.constant 0 : i32
        %dma_start3A_25 = tpu.memref_slice %arg11[%mul3A_20, %dma_start3A_24] : memref<10112x128xf32, #tpu.memory_space<vmem_shared>> -> memref<632x128xf32, #tpu.memory_space<vmem_shared>>
        tpu.enqueue_dma source(%dma_start3A_25 : memref<632x128xf32, #tpu.memory_space<vmem_shared>>) target(%dma_start3A_23 : memref<632x128xf32, #tpu.memory_space<hbm>>) target_semaphore(%run_scoped3A : memref<!tpu.dma_semaphore, #tpu.memory_space<semaphore_mem>>)
        %dma_wait3A = arith.constant 0 : i32
        %dma_wait3A_26 = tpu.memref_slice %arg6[%add3A, %mul3A_20, %dma_wait3A] : memref<24x10112x128xf32, #tpu.memory_space<hbm>> -> memref<1x632x128xf32, #tpu.memory_space<hbm>>
        %dma_wait3A_27 = tpu.memref_squeeze %dma_wait3A_26 : memref<1x632x128xf32, #tpu.memory_space<hbm>> -> memref<632x128xf32, #tpu.memory_space<hbm>>
        %dma_wait3A_28 = arith.constant 0 : i32
        %dma_wait3A_29 = tpu.memref_slice %arg11[%mul3A_20, %dma_wait3A_28] : memref<10112x128xf32, #tpu.memory_space<vmem_shared>> -> memref<632x128xf32, #tpu.memory_space<vmem_shared>>
        tpu.wait_dma2 semaphore(%run_scoped3A : memref<!tpu.dma_semaphore, #tpu.memory_space<semaphore_mem>>) src(%dma_wait3A_29 : memref<632x128xf32, #tpu.memory_space<vmem_shared>>) dst(%dma_wait3A_27 : memref<632x128xf32, #tpu.memory_space<hbm>>)
        tpu.yield
      }) : () -> ()
      %scan3A_21 = arith.constant 0 : i32
      scf.yield %scan3A_21 : i32
    }
    %scan3A_5 = arith.constant 12 : i32
    return
  }
}

#map = affine_map<(d0, d1) -> (0, 0)>
#map1 = affine_map<(d0, d1) -> (0, 0, 0, 0)>
#map2 = affine_map<(d0, d1) -> (0, 0, 0)>
module attributes {stable_mosaic.version = 14 : i64} {
  func.func @_agg1_body(%arg0: i32, %arg1: i32, %arg2: memref<10112x128xf32, #tpu.memory_space<hbm>>, %arg3: memref<2x16x40x128xi32, #tpu.memory_space<hbm>>, %arg4: memref<2x16x40x128xi32, #tpu.memory_space<hbm>>, %arg5: memref<632x128xf32, #tpu.memory_space<hbm>>, %arg6: memref<2x10112x128xf32, #tpu.memory_space<hbm>>, %arg7: memref<40x128xi32, #tpu.memory_space<vmem>>, %arg8: memref<40x128xi32, #tpu.memory_space<vmem>>, %arg9: memref<128x128xf32, #tpu.memory_space<vmem>>, %arg10: memref<128x128xf32, #tpu.memory_space<vmem>>, %arg11: memref<10112x128xf32, #tpu.memory_space<vmem_shared>>, %arg12: memref<!tpu.dma_semaphore, #tpu.memory_space<semaphore_mem>>, %arg13: memref<!tpu.dma_semaphore, #tpu.memory_space<semaphore_mem>>) attributes {dimension_semantics = [#tpu.dimension_semantics<core_parallel>, #tpu.dimension_semantics<subcore_parallel>], iteration_bounds = array<i64: 2, 16>, scalar_prefetch = 0 : i64, scratch_operands = 7 : i64, tpu.core_type = #tpu.core_type<sc_vector_subcore>, window_params = [{transform_indices = #map}, {transform_indices = #map1}, {transform_indices = #map1}, {transform_indices = #map}, {transform_indices = #map2}]} {
    "tpu.region"() ({
      %run_scoped3A = tpu.sem_alloc : memref<!tpu.dma_semaphore, #tpu.memory_space<semaphore_mem>>
      %dma_start3A_18 = arith.constant 0 : i32
      %dma_start3A_19 = arith.constant 0 : i32
      %dma_start3A_20 = tpu.memref_slice %arg3[%arg0, %arg1, %dma_start3A_18, %dma_start3A_19] : memref<2x16x40x128xi32, #tpu.memory_space<hbm>> -> memref<1x1x40x128xi32, #tpu.memory_space<hbm>>
      %dma_start3A_21 = tpu.memref_squeeze %dma_start3A_20 : memref<1x1x40x128xi32, #tpu.memory_space<hbm>> -> memref<40x128xi32, #tpu.memory_space<hbm>>
      %dma_start3A_22 = arith.constant 0 : i32
      %dma_start3A_23 = arith.constant 0 : i32
      %dma_start3A_24 = tpu.memref_slice %arg3[%arg0, %arg1, %dma_start3A_22, %dma_start3A_23] : memref<2x16x40x128xi32, #tpu.memory_space<hbm>> -> memref<1x1x40x128xi32, #tpu.memory_space<hbm>>
      %dma_start3A_25 = tpu.memref_squeeze %dma_start3A_24 : memref<1x1x40x128xi32, #tpu.memory_space<hbm>> -> memref<40x128xi32, #tpu.memory_space<hbm>>
      tpu.enqueue_dma source(%dma_start3A_25 : memref<40x128xi32, #tpu.memory_space<hbm>>) target(%arg7 : memref<40x128xi32, #tpu.memory_space<vmem>>) target_semaphore(%run_scoped3A : memref<!tpu.dma_semaphore, #tpu.memory_space<semaphore_mem>>)
      %dma_wait3A = arith.constant 0 : i32
      %dma_wait3A_26 = arith.constant 0 : i32
      %dma_wait3A_27 = tpu.memref_slice %arg3[%arg0, %arg1, %dma_wait3A, %dma_wait3A_26] : memref<2x16x40x128xi32, #tpu.memory_space<hbm>> -> memref<1x1x40x128xi32, #tpu.memory_space<hbm>>
      %dma_wait3A_28 = tpu.memref_squeeze %dma_wait3A_27 : memref<1x1x40x128xi32, #tpu.memory_space<hbm>> -> memref<40x128xi32, #tpu.memory_space<hbm>>
      %dma_wait3A_29 = arith.constant 0 : i32
      %dma_wait3A_30 = arith.constant 0 : i32
      %dma_wait3A_31 = tpu.memref_slice %arg3[%arg0, %arg1, %dma_wait3A_29, %dma_wait3A_30] : memref<2x16x40x128xi32, #tpu.memory_space<hbm>> -> memref<1x1x40x128xi32, #tpu.memory_space<hbm>>
      %dma_wait3A_32 = tpu.memref_squeeze %dma_wait3A_31 : memref<1x1x40x128xi32, #tpu.memory_space<hbm>> -> memref<40x128xi32, #tpu.memory_space<hbm>>
      tpu.wait_dma2 semaphore(%run_scoped3A : memref<!tpu.dma_semaphore, #tpu.memory_space<semaphore_mem>>) src(%dma_wait3A_32 : memref<40x128xi32, #tpu.memory_space<hbm>>) dst(%arg7 : memref<40x128xi32, #tpu.memory_space<vmem>>)
      tpu.yield
    }) : () -> ()
    "tpu.region"() ({
      %run_scoped3A = tpu.sem_alloc : memref<!tpu.dma_semaphore, #tpu.memory_space<semaphore_mem>>
      %dma_start3A_18 = arith.constant 0 : i32
      %dma_start3A_19 = arith.constant 0 : i32
      %dma_start3A_20 = tpu.memref_slice %arg4[%arg0, %arg1, %dma_start3A_18, %dma_start3A_19] : memref<2x16x40x128xi32, #tpu.memory_space<hbm>> -> memref<1x1x40x128xi32, #tpu.memory_space<hbm>>
      %dma_start3A_21 = tpu.memref_squeeze %dma_start3A_20 : memref<1x1x40x128xi32, #tpu.memory_space<hbm>> -> memref<40x128xi32, #tpu.memory_space<hbm>>
      %dma_start3A_22 = arith.constant 0 : i32
      %dma_start3A_23 = arith.constant 0 : i32
      %dma_start3A_24 = tpu.memref_slice %arg4[%arg0, %arg1, %dma_start3A_22, %dma_start3A_23] : memref<2x16x40x128xi32, #tpu.memory_space<hbm>> -> memref<1x1x40x128xi32, #tpu.memory_space<hbm>>
      %dma_start3A_25 = tpu.memref_squeeze %dma_start3A_24 : memref<1x1x40x128xi32, #tpu.memory_space<hbm>> -> memref<40x128xi32, #tpu.memory_space<hbm>>
      tpu.enqueue_dma source(%dma_start3A_25 : memref<40x128xi32, #tpu.memory_space<hbm>>) target(%arg8 : memref<40x128xi32, #tpu.memory_space<vmem>>) target_semaphore(%run_scoped3A : memref<!tpu.dma_semaphore, #tpu.memory_space<semaphore_mem>>)
      %dma_wait3A = arith.constant 0 : i32
      %dma_wait3A_26 = arith.constant 0 : i32
      %dma_wait3A_27 = tpu.memref_slice %arg4[%arg0, %arg1, %dma_wait3A, %dma_wait3A_26] : memref<2x16x40x128xi32, #tpu.memory_space<hbm>> -> memref<1x1x40x128xi32, #tpu.memory_space<hbm>>
      %dma_wait3A_28 = tpu.memref_squeeze %dma_wait3A_27 : memref<1x1x40x128xi32, #tpu.memory_space<hbm>> -> memref<40x128xi32, #tpu.memory_space<hbm>>
      %dma_wait3A_29 = arith.constant 0 : i32
      %dma_wait3A_30 = arith.constant 0 : i32
      %dma_wait3A_31 = tpu.memref_slice %arg4[%arg0, %arg1, %dma_wait3A_29, %dma_wait3A_30] : memref<2x16x40x128xi32, #tpu.memory_space<hbm>> -> memref<1x1x40x128xi32, #tpu.memory_space<hbm>>
      %dma_wait3A_32 = tpu.memref_squeeze %dma_wait3A_31 : memref<1x1x40x128xi32, #tpu.memory_space<hbm>> -> memref<40x128xi32, #tpu.memory_space<hbm>>
      tpu.wait_dma2 semaphore(%run_scoped3A : memref<!tpu.dma_semaphore, #tpu.memory_space<semaphore_mem>>) src(%dma_wait3A_32 : memref<40x128xi32, #tpu.memory_space<hbm>>) dst(%arg8 : memref<40x128xi32, #tpu.memory_space<vmem>>)
      tpu.yield
    }) : () -> ()
    %mul3A = arith.constant 632 : i32
    %mul3A_0 = arith.muli %arg1, %mul3A : i32
    "tpu.region"() ({
      %run_scoped3A = tpu.sem_alloc : memref<!tpu.dma_semaphore, #tpu.memory_space<semaphore_mem>>
      %dma_start3A_18 = arith.constant 0 : i32
      %dma_start3A_19 = tpu.memref_slice %arg11[%mul3A_0, %dma_start3A_18] : memref<10112x128xf32, #tpu.memory_space<vmem_shared>> -> memref<632x128xf32, #tpu.memory_space<vmem_shared>>
      tpu.enqueue_dma source(%arg5 : memref<632x128xf32, #tpu.memory_space<hbm>>) target(%dma_start3A_19 : memref<632x128xf32, #tpu.memory_space<vmem_shared>>) target_semaphore(%run_scoped3A : memref<!tpu.dma_semaphore, #tpu.memory_space<semaphore_mem>>)
      %dma_wait3A = arith.constant 0 : i32
      %dma_wait3A_20 = tpu.memref_slice %arg11[%mul3A_0, %dma_wait3A] : memref<10112x128xf32, #tpu.memory_space<vmem_shared>> -> memref<632x128xf32, #tpu.memory_space<vmem_shared>>
      tpu.wait_dma2 semaphore(%run_scoped3A : memref<!tpu.dma_semaphore, #tpu.memory_space<semaphore_mem>>) src(%arg5 : memref<632x128xf32, #tpu.memory_space<hbm>>) dst(%dma_wait3A_20 : memref<632x128xf32, #tpu.memory_space<vmem_shared>>)
      tpu.yield
    }) : () -> ()
    %barrier3A = arith.constant 0 : index
    tpu.barrier barrier_id(%barrier3A)
    %dma_start3A = arith.constant 0 : i32
    %dma_start3A_1 = arith.constant 0 : i32
    %dma_start3A_2 = tpu.memref_slice %arg7[%dma_start3A, %dma_start3A_1] : memref<40x128xi32, #tpu.memory_space<vmem>> -> memref<1x128xi32, #tpu.memory_space<vmem>>
    %dma_start3A_3 = tpu.memref_squeeze %dma_start3A_2 : memref<1x128xi32, #tpu.memory_space<vmem>> -> memref<128xi32, #tpu.memory_space<vmem>>
    %dma_start3A_4 = arith.constant 0 : i32
    %dma_start3A_5 = arith.constant 0 : i32
    %dma_start3A_6 = tpu.memref_slice %arg2[%dma_start3A_4, %dma_start3A_5] : memref<10112x128xf32, #tpu.memory_space<hbm>> -> memref<10112x128xf32, #tpu.memory_space<hbm>>
    tpu.enqueue_indirect_dma source(%dma_start3A_6 : memref<10112x128xf32, #tpu.memory_space<hbm>>) target(%arg9 : memref<128x128xf32, #tpu.memory_space<vmem>>) offsets(%dma_start3A_3 : memref<128xi32, #tpu.memory_space<vmem>>) semaphore(%arg12 : memref<!tpu.dma_semaphore, #tpu.memory_space<semaphore_mem>>)
    %scan3A = arith.constant 0 : i32
    %scan3A_7 = arith.constant 0 : i32
    %scan3A_8 = arith.constant 20 : i32
    %scan3A_9 = arith.addi %scan3A_7, %scan3A_8 : i32
    %scan3A_10 = arith.constant 1 : i32
    %scan3A_11 = scf.for %scan3A_18 = %scan3A_7 to %scan3A_9 step %scan3A_10 iter_args(%scan3A_19 = %scan3A) -> (i32)  : i32 {
      %mul3A_20 = arith.constant 2 : i32
      %mul3A_21 = arith.muli %mul3A_20, %scan3A_18 : i32
      %add3A = arith.constant 1 : i32
      %add3A_22 = arith.addi %mul3A_21, %add3A : i32
      %dma_start3A_23 = arith.constant 0 : i32
      %dma_start3A_24 = tpu.memref_slice %arg7[%add3A_22, %dma_start3A_23] : memref<40x128xi32, #tpu.memory_space<vmem>> -> memref<1x128xi32, #tpu.memory_space<vmem>>
      %dma_start3A_25 = tpu.memref_squeeze %dma_start3A_24 : memref<1x128xi32, #tpu.memory_space<vmem>> -> memref<128xi32, #tpu.memory_space<vmem>>
      %dma_start3A_26 = arith.constant 0 : i32
      %dma_start3A_27 = arith.constant 0 : i32
      %dma_start3A_28 = tpu.memref_slice %arg2[%dma_start3A_26, %dma_start3A_27] : memref<10112x128xf32, #tpu.memory_space<hbm>> -> memref<10112x128xf32, #tpu.memory_space<hbm>>
      tpu.enqueue_indirect_dma source(%dma_start3A_28 : memref<10112x128xf32, #tpu.memory_space<hbm>>) target(%arg10 : memref<128x128xf32, #tpu.memory_space<vmem>>) offsets(%dma_start3A_25 : memref<128xi32, #tpu.memory_space<vmem>>) semaphore(%arg13 : memref<!tpu.dma_semaphore, #tpu.memory_space<semaphore_mem>>)
      %dma_wait3A = arith.constant 0 : i32
      %dma_wait3A_29 = tpu.memref_slice %arg7[%mul3A_21, %dma_wait3A] : memref<40x128xi32, #tpu.memory_space<vmem>> -> memref<1x128xi32, #tpu.memory_space<vmem>>
      %dma_wait3A_30 = tpu.memref_squeeze %dma_wait3A_29 : memref<1x128xi32, #tpu.memory_space<vmem>> -> memref<128xi32, #tpu.memory_space<vmem>>
      %dma_wait3A_31 = arith.constant 0 : i32
      %dma_wait3A_32 = arith.constant 0 : i32
      %dma_wait3A_33 = tpu.memref_slice %arg2[%dma_wait3A_31, %dma_wait3A_32] : memref<10112x128xf32, #tpu.memory_space<hbm>> -> memref<10112x128xf32, #tpu.memory_space<hbm>>
      tpu.wait_indirect_dma semaphore(%arg12 : memref<!tpu.dma_semaphore, #tpu.memory_space<semaphore_mem>>) src(%dma_wait3A_33 : memref<10112x128xf32, #tpu.memory_space<hbm>>) dst(%arg9 : memref<128x128xf32, #tpu.memory_space<vmem>>)
      "tpu.region"() ({
        %run_scoped3A = tpu.sem_alloc : memref<!tpu.dma_semaphore, #tpu.memory_space<semaphore_mem>>
        %dma_start3A_47 = arith.constant 0 : i32
        %dma_start3A_48 = tpu.memref_slice %arg8[%mul3A_21, %dma_start3A_47] : memref<40x128xi32, #tpu.memory_space<vmem>> -> memref<1x128xi32, #tpu.memory_space<vmem>>
        %dma_start3A_49 = tpu.memref_squeeze %dma_start3A_48 : memref<1x128xi32, #tpu.memory_space<vmem>> -> memref<128xi32, #tpu.memory_space<vmem>>
        %dma_start3A_50 = arith.constant 0 : i32
        %dma_start3A_51 = arith.constant 0 : i32
        %dma_start3A_52 = tpu.memref_slice %arg11[%dma_start3A_50, %dma_start3A_51] : memref<10112x128xf32, #tpu.memory_space<vmem_shared>> -> memref<10112x128xf32, #tpu.memory_space<vmem_shared>>
        tpu.enqueue_indirect_dma source(%arg9 : memref<128x128xf32, #tpu.memory_space<vmem>>) target(%dma_start3A_52 : memref<10112x128xf32, #tpu.memory_space<vmem_shared>>) offsets(%dma_start3A_49 : memref<128xi32, #tpu.memory_space<vmem>>) semaphore(%run_scoped3A : memref<!tpu.dma_semaphore, #tpu.memory_space<semaphore_mem>>) {add = true}
        %dma_wait3A_53 = arith.constant 0 : i32
        %dma_wait3A_54 = tpu.memref_slice %arg8[%mul3A_21, %dma_wait3A_53] : memref<40x128xi32, #tpu.memory_space<vmem>> -> memref<1x128xi32, #tpu.memory_space<vmem>>
        %dma_wait3A_55 = tpu.memref_squeeze %dma_wait3A_54 : memref<1x128xi32, #tpu.memory_space<vmem>> -> memref<128xi32, #tpu.memory_space<vmem>>
        %dma_wait3A_56 = arith.constant 0 : i32
        %dma_wait3A_57 = arith.constant 0 : i32
        %dma_wait3A_58 = tpu.memref_slice %arg11[%dma_wait3A_56, %dma_wait3A_57] : memref<10112x128xf32, #tpu.memory_space<vmem_shared>> -> memref<10112x128xf32, #tpu.memory_space<vmem_shared>>
        tpu.wait_indirect_dma semaphore(%run_scoped3A : memref<!tpu.dma_semaphore, #tpu.memory_space<semaphore_mem>>) src(%arg9 : memref<128x128xf32, #tpu.memory_space<vmem>>) dst(%dma_wait3A_58 : memref<10112x128xf32, #tpu.memory_space<vmem_shared>>)
        tpu.yield
      }) : () -> ()
      %lt3A = arith.constant 19 : i32
      %lt3A_34 = arith.cmpi slt, %scan3A_18, %lt3A : i32
      %convert_element_type3A = arith.extui %lt3A_34 : i1 to i32
      %cond3A = arith.constant 0 : i32
      %cond3A_35 = arith.cmpi ne, %convert_element_type3A, %cond3A : i32
      scf.if %cond3A_35 {
        %add3A_47 = arith.constant 2 : i32
        %add3A_48 = arith.addi %mul3A_21, %add3A_47 : i32
        %dma_start3A_49 = arith.constant 0 : i32
        %dma_start3A_50 = tpu.memref_slice %arg7[%add3A_48, %dma_start3A_49] : memref<40x128xi32, #tpu.memory_space<vmem>> -> memref<1x128xi32, #tpu.memory_space<vmem>>
        %dma_start3A_51 = tpu.memref_squeeze %dma_start3A_50 : memref<1x128xi32, #tpu.memory_space<vmem>> -> memref<128xi32, #tpu.memory_space<vmem>>
        %dma_start3A_52 = arith.constant 0 : i32
        %dma_start3A_53 = arith.constant 0 : i32
        %dma_start3A_54 = tpu.memref_slice %arg2[%dma_start3A_52, %dma_start3A_53] : memref<10112x128xf32, #tpu.memory_space<hbm>> -> memref<10112x128xf32, #tpu.memory_space<hbm>>
        tpu.enqueue_indirect_dma source(%dma_start3A_54 : memref<10112x128xf32, #tpu.memory_space<hbm>>) target(%arg9 : memref<128x128xf32, #tpu.memory_space<vmem>>) offsets(%dma_start3A_51 : memref<128xi32, #tpu.memory_space<vmem>>) semaphore(%arg12 : memref<!tpu.dma_semaphore, #tpu.memory_space<semaphore_mem>>)
      } else {
      }
      %add3A_36 = arith.constant 1 : i32
      %add3A_37 = arith.addi %mul3A_21, %add3A_36 : i32
      %dma_wait3A_38 = arith.constant 0 : i32
      %dma_wait3A_39 = tpu.memref_slice %arg7[%add3A_37, %dma_wait3A_38] : memref<40x128xi32, #tpu.memory_space<vmem>> -> memref<1x128xi32, #tpu.memory_space<vmem>>
      %dma_wait3A_40 = tpu.memref_squeeze %dma_wait3A_39 : memref<1x128xi32, #tpu.memory_space<vmem>> -> memref<128xi32, #tpu.memory_space<vmem>>
      %dma_wait3A_41 = arith.constant 0 : i32
      %dma_wait3A_42 = arith.constant 0 : i32
      %dma_wait3A_43 = tpu.memref_slice %arg2[%dma_wait3A_41, %dma_wait3A_42] : memref<10112x128xf32, #tpu.memory_space<hbm>> -> memref<10112x128xf32, #tpu.memory_space<hbm>>
      tpu.wait_indirect_dma semaphore(%arg13 : memref<!tpu.dma_semaphore, #tpu.memory_space<semaphore_mem>>) src(%dma_wait3A_43 : memref<10112x128xf32, #tpu.memory_space<hbm>>) dst(%arg10 : memref<128x128xf32, #tpu.memory_space<vmem>>)
      %add3A_44 = arith.constant 1 : i32
      %add3A_45 = arith.addi %mul3A_21, %add3A_44 : i32
      "tpu.region"() ({
        %run_scoped3A = tpu.sem_alloc : memref<!tpu.dma_semaphore, #tpu.memory_space<semaphore_mem>>
        %dma_start3A_47 = arith.constant 0 : i32
        %dma_start3A_48 = tpu.memref_slice %arg8[%add3A_45, %dma_start3A_47] : memref<40x128xi32, #tpu.memory_space<vmem>> -> memref<1x128xi32, #tpu.memory_space<vmem>>
        %dma_start3A_49 = tpu.memref_squeeze %dma_start3A_48 : memref<1x128xi32, #tpu.memory_space<vmem>> -> memref<128xi32, #tpu.memory_space<vmem>>
        %dma_start3A_50 = arith.constant 0 : i32
        %dma_start3A_51 = arith.constant 0 : i32
        %dma_start3A_52 = tpu.memref_slice %arg11[%dma_start3A_50, %dma_start3A_51] : memref<10112x128xf32, #tpu.memory_space<vmem_shared>> -> memref<10112x128xf32, #tpu.memory_space<vmem_shared>>
        tpu.enqueue_indirect_dma source(%arg10 : memref<128x128xf32, #tpu.memory_space<vmem>>) target(%dma_start3A_52 : memref<10112x128xf32, #tpu.memory_space<vmem_shared>>) offsets(%dma_start3A_49 : memref<128xi32, #tpu.memory_space<vmem>>) semaphore(%run_scoped3A : memref<!tpu.dma_semaphore, #tpu.memory_space<semaphore_mem>>) {add = true}
        %dma_wait3A_53 = arith.constant 0 : i32
        %dma_wait3A_54 = tpu.memref_slice %arg8[%add3A_45, %dma_wait3A_53] : memref<40x128xi32, #tpu.memory_space<vmem>> -> memref<1x128xi32, #tpu.memory_space<vmem>>
        %dma_wait3A_55 = tpu.memref_squeeze %dma_wait3A_54 : memref<1x128xi32, #tpu.memory_space<vmem>> -> memref<128xi32, #tpu.memory_space<vmem>>
        %dma_wait3A_56 = arith.constant 0 : i32
        %dma_wait3A_57 = arith.constant 0 : i32
        %dma_wait3A_58 = tpu.memref_slice %arg11[%dma_wait3A_56, %dma_wait3A_57] : memref<10112x128xf32, #tpu.memory_space<vmem_shared>> -> memref<10112x128xf32, #tpu.memory_space<vmem_shared>>
        tpu.wait_indirect_dma semaphore(%run_scoped3A : memref<!tpu.dma_semaphore, #tpu.memory_space<semaphore_mem>>) src(%arg10 : memref<128x128xf32, #tpu.memory_space<vmem>>) dst(%dma_wait3A_58 : memref<10112x128xf32, #tpu.memory_space<vmem_shared>>)
        tpu.yield
      }) : () -> ()
      %scan3A_46 = arith.constant 0 : i32
      scf.yield %scan3A_46 : i32
    }
    %scan3A_12 = arith.constant 20 : i32
    %barrier3A_13 = arith.constant 0 : index
    tpu.barrier barrier_id(%barrier3A_13)
    %mul3A_14 = arith.constant 632 : i32
    %mul3A_15 = arith.muli %arg1, %mul3A_14 : i32
    %mul3A_16 = arith.constant 632 : i32
    %mul3A_17 = arith.muli %arg1, %mul3A_16 : i32
    "tpu.region"() ({
      %run_scoped3A = tpu.sem_alloc : memref<!tpu.dma_semaphore, #tpu.memory_space<semaphore_mem>>
      %dma_start3A_18 = arith.constant 0 : i32
      %dma_start3A_19 = tpu.memref_slice %arg6[%arg0, %mul3A_17, %dma_start3A_18] : memref<2x10112x128xf32, #tpu.memory_space<hbm>> -> memref<1x632x128xf32, #tpu.memory_space<hbm>>
      %dma_start3A_20 = tpu.memref_squeeze %dma_start3A_19 : memref<1x632x128xf32, #tpu.memory_space<hbm>> -> memref<632x128xf32, #tpu.memory_space<hbm>>
      %dma_start3A_21 = arith.constant 0 : i32
      %dma_start3A_22 = tpu.memref_slice %arg11[%mul3A_15, %dma_start3A_21] : memref<10112x128xf32, #tpu.memory_space<vmem_shared>> -> memref<632x128xf32, #tpu.memory_space<vmem_shared>>
      tpu.enqueue_dma source(%dma_start3A_22 : memref<632x128xf32, #tpu.memory_space<vmem_shared>>) target(%dma_start3A_20 : memref<632x128xf32, #tpu.memory_space<hbm>>) target_semaphore(%run_scoped3A : memref<!tpu.dma_semaphore, #tpu.memory_space<semaphore_mem>>)
      %dma_wait3A = arith.constant 0 : i32
      %dma_wait3A_23 = tpu.memref_slice %arg6[%arg0, %mul3A_17, %dma_wait3A] : memref<2x10112x128xf32, #tpu.memory_space<hbm>> -> memref<1x632x128xf32, #tpu.memory_space<hbm>>
      %dma_wait3A_24 = tpu.memref_squeeze %dma_wait3A_23 : memref<1x632x128xf32, #tpu.memory_space<hbm>> -> memref<632x128xf32, #tpu.memory_space<hbm>>
      %dma_wait3A_25 = arith.constant 0 : i32
      %dma_wait3A_26 = tpu.memref_slice %arg11[%mul3A_15, %dma_wait3A_25] : memref<10112x128xf32, #tpu.memory_space<vmem_shared>> -> memref<632x128xf32, #tpu.memory_space<vmem_shared>>
      tpu.wait_dma2 semaphore(%run_scoped3A : memref<!tpu.dma_semaphore, #tpu.memory_space<semaphore_mem>>) src(%dma_wait3A_26 : memref<632x128xf32, #tpu.memory_space<vmem_shared>>) dst(%dma_wait3A_24 : memref<632x128xf32, #tpu.memory_space<hbm>>)
      tpu.yield
    }) : () -> ()
    return
  }
}

module attributes {stable_mosaic.version = 14 : i64} {
  func.func @_dense1_body(%arg0: i32, %arg1: memref<2x128x128xf32, #tpu.memory_space<vmem>>, %arg2: memref<128x128xf32, #tpu.memory_space<vmem>>, %arg3: memref<1x64xf32, #tpu.memory_space<vmem>>, %arg4: memref<1x64xf32, #tpu.memory_space<vmem>>, %arg5: memref<1x64xf32, #tpu.memory_space<vmem>>, %arg6: memref<1x64xf32, #tpu.memory_space<vmem>>, %arg7: memref<1x64xf32, #tpu.memory_space<vmem>>, %arg8: memref<128x48x64xf32, #tpu.memory_space<vmem>>) attributes {dimension_semantics = [#tpu.dimension_semantics<arbitrary>], iteration_bounds = array<i64: 79>, scalar_prefetch = 0 : i64, scratch_operands = 0 : i64, tpu.core_type = #tpu.core_type<tc>, window_params = [{transform_indices = @transform_0, window_bounds = array<i64: 2, 128, 128>}, {transform_indices = @transform_1, window_bounds = array<i64: 128, 128>}, {pipeline_mode = #tpu.pipeline_mode<synchronous>, transform_indices = @transform_2, window_bounds = array<i64: 1, 64>}, {pipeline_mode = #tpu.pipeline_mode<synchronous>, transform_indices = @transform_3, window_bounds = array<i64: 1, 64>}, {pipeline_mode = #tpu.pipeline_mode<synchronous>, transform_indices = @transform_4, window_bounds = array<i64: 1, 64>}, {pipeline_mode = #tpu.pipeline_mode<synchronous>, transform_indices = @transform_5, window_bounds = array<i64: 1, 64>}, {pipeline_mode = #tpu.pipeline_mode<synchronous>, transform_indices = @transform_6, window_bounds = array<i64: 1, 64>}, {transform_indices = @transform_7, window_bounds = array<i64: 128, 48, 64>}]} {
    %get3A = arith.constant 0 : index
    %get3A_0 = arith.constant 0 : index
    %get3A_1 = arith.constant 0 : index
    %get3A_2 = vector.load %arg1[%get3A, %get3A_0, %get3A_1] : memref<2x128x128xf32, #tpu.memory_space<vmem>>, vector<1x128x128xf32>
    %get3A_3 = vector.shape_cast %get3A_2 : vector<1x128x128xf32> to vector<128x128xf32>
    %get3A_4 = arith.constant 1 : index
    %get3A_5 = arith.constant 0 : index
    %get3A_6 = arith.constant 0 : index
    %get3A_7 = vector.load %arg1[%get3A_4, %get3A_5, %get3A_6] : memref<2x128x128xf32, #tpu.memory_space<vmem>>, vector<1x128x128xf32>
    %get3A_8 = vector.shape_cast %get3A_7 : vector<1x128x128xf32> to vector<128x128xf32>
    %add3A = arith.addf %get3A_3, %get3A_8 : vector<128x128xf32>
    %slice3A = vector.extract_strided_slice %add3A {offsets = [0, 48], sizes = [128, 1], strides = [1, 1]} : vector<128x128xf32> to vector<128x1xf32>
    %max3A = arith.constant 1.000000e+00 : f32
    %max3A_9 = vector.broadcast %max3A : f32 to vector<128x1xf32>
    %max3A_10 = arith.maximumf %slice3A, %max3A_9 : vector<128x1xf32>
    %slice3A_11 = vector.extract_strided_slice %add3A {offsets = [0, 0], sizes = [128, 48], strides = [1, 1]} : vector<128x128xf32> to vector<128x48xf32>
    %div3A = vector.broadcast %max3A_10 : vector<128x1xf32> to vector<128x48xf32>
    %div3A_12 = arith.divf %slice3A_11, %div3A : vector<128x48xf32>
    %get3A_13 = arith.constant 0 : index
    %get3A_14 = arith.constant 0 : index
    %get3A_15 = vector.load %arg2[%get3A_13, %get3A_14] : memref<128x128xf32, #tpu.memory_space<vmem>>, vector<128x48xf32>
    %broadcast_in_dim3A = vector.shape_cast %div3A_12 : vector<128x48xf32> to vector<128x48x1xf32>
    %get3A_16 = arith.constant 0 : index
    %get3A_17 = arith.constant 0 : index
    %get3A_18 = vector.load %arg3[%get3A_16, %get3A_17] : memref<1x64xf32, #tpu.memory_space<vmem>>, vector<1x64xf32>
    %get3A_19 = vector.shape_cast %get3A_18 : vector<1x64xf32> to vector<64xf32>
    %broadcast_in_dim3A_20 = vector.shape_cast %get3A_19 : vector<64xf32> to vector<1x1x64xf32>
    %mul3A = vector.broadcast %broadcast_in_dim3A : vector<128x48x1xf32> to vector<128x48x64xf32>
    %mul3A_21 = vector.broadcast %broadcast_in_dim3A_20 : vector<1x1x64xf32> to vector<128x48x64xf32>
    %mul3A_22 = arith.mulf %mul3A, %mul3A_21 : vector<128x48x64xf32>
    %broadcast_in_dim3A_23 = vector.shape_cast %get3A_15 : vector<128x48xf32> to vector<128x48x1xf32>
    %get3A_24 = arith.constant 0 : index
    %get3A_25 = arith.constant 0 : index
    %get3A_26 = vector.load %arg4[%get3A_24, %get3A_25] : memref<1x64xf32, #tpu.memory_space<vmem>>, vector<1x64xf32>
    %get3A_27 = vector.shape_cast %get3A_26 : vector<1x64xf32> to vector<64xf32>
    %broadcast_in_dim3A_28 = vector.shape_cast %get3A_27 : vector<64xf32> to vector<1x1x64xf32>
    %mul3A_29 = vector.broadcast %broadcast_in_dim3A_23 : vector<128x48x1xf32> to vector<128x48x64xf32>
    %mul3A_30 = vector.broadcast %broadcast_in_dim3A_28 : vector<1x1x64xf32> to vector<128x48x64xf32>
    %mul3A_31 = arith.mulf %mul3A_29, %mul3A_30 : vector<128x48x64xf32>
    %add3A_32 = arith.addf %mul3A_22, %mul3A_31 : vector<128x48x64xf32>
    %get3A_33 = arith.constant 0 : index
    %get3A_34 = arith.constant 0 : index
    %get3A_35 = vector.load %arg5[%get3A_33, %get3A_34] : memref<1x64xf32, #tpu.memory_space<vmem>>, vector<1x64xf32>
    %get3A_36 = vector.shape_cast %get3A_35 : vector<1x64xf32> to vector<64xf32>
    %broadcast_in_dim3A_37 = vector.shape_cast %get3A_36 : vector<64xf32> to vector<1x1x64xf32>
    %add3A_38 = vector.broadcast %broadcast_in_dim3A_37 : vector<1x1x64xf32> to vector<128x48x64xf32>
    %add3A_39 = arith.addf %add3A_32, %add3A_38 : vector<128x48x64xf32>
    %reduce_sum3A = arith.constant dense<0.000000e+00> : vector<128x48xf32>
    %reduce_sum3A_40 = vector.multi_reduction <add>, %add3A_39, %reduce_sum3A [2] : vector<128x48x64xf32> to vector<128x48xf32>
    %broadcast_in_dim3A_41 = vector.shape_cast %reduce_sum3A_40 : vector<128x48xf32> to vector<128x48x1xf32>
    %div3A_42 = arith.constant 6.400000e+01 : f32
    %div3A_43 = vector.broadcast %div3A_42 : f32 to vector<128x48x1xf32>
    %div3A_44 = arith.divf %broadcast_in_dim3A_41, %div3A_43 : vector<128x48x1xf32>
    %sub3A = vector.broadcast %div3A_44 : vector<128x48x1xf32> to vector<128x48x64xf32>
    %sub3A_45 = arith.subf %add3A_39, %sub3A : vector<128x48x64xf32>
    %integer_pow3A = arith.mulf %sub3A_45, %sub3A_45 : vector<128x48x64xf32>
    %reduce_sum3A_46 = arith.constant dense<0.000000e+00> : vector<128x48xf32>
    %reduce_sum3A_47 = vector.multi_reduction <add>, %integer_pow3A, %reduce_sum3A_46 [2] : vector<128x48x64xf32> to vector<128x48xf32>
    %broadcast_in_dim3A_48 = vector.shape_cast %reduce_sum3A_47 : vector<128x48xf32> to vector<128x48x1xf32>
    %div3A_49 = arith.constant 6.400000e+01 : f32
    %div3A_50 = vector.broadcast %div3A_49 : f32 to vector<128x48x1xf32>
    %div3A_51 = arith.divf %broadcast_in_dim3A_48, %div3A_50 : vector<128x48x1xf32>
    %sub3A_52 = vector.broadcast %div3A_44 : vector<128x48x1xf32> to vector<128x48x64xf32>
    %sub3A_53 = arith.subf %add3A_39, %sub3A_52 : vector<128x48x64xf32>
    %add3A_54 = arith.constant 9.99999974E-6 : f32
    %add3A_55 = vector.broadcast %add3A_54 : f32 to vector<128x48x1xf32>
    %add3A_56 = arith.addf %div3A_51, %add3A_55 : vector<128x48x1xf32>
    %sqrt3A = math.sqrt %add3A_56 : vector<128x48x1xf32>
    %div3A_57 = vector.broadcast %sqrt3A : vector<128x48x1xf32> to vector<128x48x64xf32>
    %div3A_58 = arith.divf %sub3A_53, %div3A_57 : vector<128x48x64xf32>
    %get3A_59 = arith.constant 0 : index
    %get3A_60 = arith.constant 0 : index
    %get3A_61 = vector.load %arg6[%get3A_59, %get3A_60] : memref<1x64xf32, #tpu.memory_space<vmem>>, vector<1x64xf32>
    %get3A_62 = vector.shape_cast %get3A_61 : vector<1x64xf32> to vector<64xf32>
    %broadcast_in_dim3A_63 = vector.shape_cast %get3A_62 : vector<64xf32> to vector<1x1x64xf32>
    %mul3A_64 = vector.broadcast %broadcast_in_dim3A_63 : vector<1x1x64xf32> to vector<128x48x64xf32>
    %mul3A_65 = arith.mulf %div3A_58, %mul3A_64 : vector<128x48x64xf32>
    %get3A_66 = arith.constant 0 : index
    %get3A_67 = arith.constant 0 : index
    %get3A_68 = vector.load %arg7[%get3A_66, %get3A_67] : memref<1x64xf32, #tpu.memory_space<vmem>>, vector<1x64xf32>
    %get3A_69 = vector.shape_cast %get3A_68 : vector<1x64xf32> to vector<64xf32>
    %broadcast_in_dim3A_70 = vector.shape_cast %get3A_69 : vector<64xf32> to vector<1x1x64xf32>
    %add3A_71 = vector.broadcast %broadcast_in_dim3A_70 : vector<1x1x64xf32> to vector<128x48x64xf32>
    %add3A_72 = arith.addf %mul3A_65, %add3A_71 : vector<128x48x64xf32>
    %max3A_73 = arith.constant 0.000000e+00 : f32
    %max3A_74 = vector.broadcast %max3A_73 : f32 to vector<128x48x64xf32>
    %max3A_75 = arith.maximumf %add3A_72, %max3A_74 : vector<128x48x64xf32>
    %swap3A = arith.constant 0 : index
    %swap3A_76 = arith.constant 0 : index
    %swap3A_77 = arith.constant 0 : index
    %swap3A_78 = vector.load %arg8[%swap3A, %swap3A_76, %swap3A_77] : memref<128x48x64xf32, #tpu.memory_space<vmem>>, vector<128x48x64xf32>
    tpu.vector_store %arg8[%swap3A, %swap3A_76, %swap3A_77], %max3A_75 {strides = array<i32>} : memref<128x48x64xf32, #tpu.memory_space<vmem>>, vector<128x48x64xf32>,
    return
  }
  func.func @transform_0(%arg0: i32) -> (i32, i32, i32) {
    %c0_i32 = arith.constant 0 : i32
    %c0_i32_0 = arith.constant 0 : i32
    %c0_i32_1 = arith.constant 0 : i32
    return %c0_i32, %arg0, %c0_i32_0 : i32, i32, i32
  }
  func.func @transform_1(%arg0: i32) -> (i32, i32) {
    %c0_i32 = arith.constant 0 : i32
    %c0_i32_0 = arith.constant 0 : i32
    return %arg0, %c0_i32 : i32, i32
  }
  func.func @transform_2(%arg0: i32) -> (i32, i32) {
    %c0_i32 = arith.constant 0 : i32
    %c0_i32_0 = arith.constant 0 : i32
    %c0_i32_1 = arith.constant 0 : i32
    return %c0_i32, %c0_i32_0 : i32, i32
  }
  func.func @transform_3(%arg0: i32) -> (i32, i32) {
    %c0_i32 = arith.constant 0 : i32
    %c0_i32_0 = arith.constant 0 : i32
    %c0_i32_1 = arith.constant 0 : i32
    return %c0_i32, %c0_i32_0 : i32, i32
  }
  func.func @transform_4(%arg0: i32) -> (i32, i32) {
    %c0_i32 = arith.constant 0 : i32
    %c0_i32_0 = arith.constant 0 : i32
    %c0_i32_1 = arith.constant 0 : i32
    return %c0_i32, %c0_i32_0 : i32, i32
  }
  func.func @transform_5(%arg0: i32) -> (i32, i32) {
    %c0_i32 = arith.constant 0 : i32
    %c0_i32_0 = arith.constant 0 : i32
    %c0_i32_1 = arith.constant 0 : i32
    return %c0_i32, %c0_i32_0 : i32, i32
  }
  func.func @transform_6(%arg0: i32) -> (i32, i32) {
    %c0_i32 = arith.constant 0 : i32
    %c0_i32_0 = arith.constant 0 : i32
    %c0_i32_1 = arith.constant 0 : i32
    return %c0_i32, %c0_i32_0 : i32, i32
  }
  func.func @transform_7(%arg0: i32) -> (i32, i32, i32) {
    %c0_i32 = arith.constant 0 : i32
    %c0_i32_0 = arith.constant 0 : i32
    %c0_i32_1 = arith.constant 0 : i32
    return %arg0, %c0_i32, %c0_i32_0 : i32, i32, i32
  }
}

module attributes {stable_mosaic.version = 14 : i64} {
  func.func @_dense2_body(%arg0: i32, %arg1: memref<24x128x128xf32, #tpu.memory_space<vmem>>, %arg2: memref<128x24x128xf32, #tpu.memory_space<vmem>>, %arg3: memref<2x128x128xf32, #tpu.memory_space<vmem>>, %arg4: memref<128x128xf32, #tpu.memory_space<vmem>>, %arg5: memref<128x128xf32, #tpu.memory_space<vmem>>, %arg6: memref<1x128xf32, #tpu.memory_space<vmem>>, %arg7: memref<1x128xf32, #tpu.memory_space<vmem>>, %arg8: memref<1x128xf32, #tpu.memory_space<vmem>>, %arg9: memref<24x128xf32, #tpu.memory_space<vmem>>) attributes {dimension_semantics = [#tpu.dimension_semantics<arbitrary>], iteration_bounds = array<i64: 79>, scalar_prefetch = 0 : i64, scratch_operands = 0 : i64, tpu.core_type = #tpu.core_type<tc>, window_params = [{transform_indices = @transform_0, window_bounds = array<i64: 24, 128, 128>}, {transform_indices = @transform_1, window_bounds = array<i64: 128, 24, 128>}, {transform_indices = @transform_2, window_bounds = array<i64: 2, 128, 128>}, {pipeline_mode = #tpu.pipeline_mode<synchronous>, transform_indices = @transform_3, window_bounds = array<i64: 128, 128>}, {pipeline_mode = #tpu.pipeline_mode<synchronous>, transform_indices = @transform_4, window_bounds = array<i64: 128, 128>}, {pipeline_mode = #tpu.pipeline_mode<synchronous>, transform_indices = @transform_5, window_bounds = array<i64: 1, 128>}, {pipeline_mode = #tpu.pipeline_mode<synchronous>, transform_indices = @transform_6, window_bounds = array<i64: 1, 128>}, {pipeline_mode = #tpu.pipeline_mode<synchronous>, transform_indices = @transform_7, window_bounds = array<i64: 1, 128>}, {pipeline_mode = #tpu.pipeline_mode<synchronous>, transform_indices = @transform_8, window_bounds = array<i64: 24, 128>}]} {
    %get3A = arith.constant 0 : index
    %get3A_0 = arith.constant 0 : index
    %get3A_1 = arith.constant 0 : index
    %get3A_2 = vector.load %arg3[%get3A, %get3A_0, %get3A_1] : memref<2x128x128xf32, #tpu.memory_space<vmem>>, vector<1x128x128xf32>
    %get3A_3 = vector.shape_cast %get3A_2 : vector<1x128x128xf32> to vector<128x128xf32>
    %get3A_4 = arith.constant 1 : index
    %get3A_5 = arith.constant 0 : index
    %get3A_6 = arith.constant 0 : index
    %get3A_7 = vector.load %arg3[%get3A_4, %get3A_5, %get3A_6] : memref<2x128x128xf32, #tpu.memory_space<vmem>>, vector<1x128x128xf32>
    %get3A_8 = vector.shape_cast %get3A_7 : vector<1x128x128xf32> to vector<128x128xf32>
    %add3A = arith.addf %get3A_3, %get3A_8 : vector<128x128xf32>
    %slice3A = vector.extract_strided_slice %add3A {offsets = [0, 48], sizes = [128, 1], strides = [1, 1]} : vector<128x128xf32> to vector<128x1xf32>
    %max3A = arith.constant 1.000000e+00 : f32
    %max3A_9 = vector.broadcast %max3A : f32 to vector<128x1xf32>
    %max3A_10 = arith.maximumf %slice3A, %max3A_9 : vector<128x1xf32>
    %div3A = arith.constant 1.000000e+00 : f32
    %div3A_11 = vector.broadcast %div3A : f32 to vector<128x1xf32>
    %div3A_12 = arith.divf %div3A_11, %max3A_10 : vector<128x1xf32>
    %get3A_13 = arith.constant 0 : index
    %get3A_14 = arith.constant 0 : index
    %get3A_15 = arith.constant 0 : index
    %get3A_16 = vector.load %arg1[%get3A_13, %get3A_14, %get3A_15] : memref<24x128x128xf32, #tpu.memory_space<vmem>>, vector<24x128x128xf32>
    %broadcast_in_dim3A = vector.shape_cast %div3A_12 : vector<128x1xf32> to vector<1x128x1xf32>
    %mul3A = vector.broadcast %broadcast_in_dim3A : vector<1x128x1xf32> to vector<24x128x128xf32>
    %mul3A_17 = arith.mulf %get3A_16, %mul3A : vector<24x128x128xf32>
    %get3A_18 = arith.constant 0 : index
    %get3A_19 = arith.constant 0 : index
    %get3A_20 = arith.constant 0 : index
    %get3A_21 = vector.load %arg2[%get3A_18, %get3A_19, %get3A_20] : memref<128x24x128xf32, #tpu.memory_space<vmem>>, vector<128x24x128xf32>
    %transpose3A = tpu.transpose %get3A_21, [1, 0, 2] : vector<128x24x128xf32> -> vector<24x128x128xf32>
    %get3A_22 = arith.constant 0 : index
    %get3A_23 = arith.constant 0 : index
    %get3A_24 = vector.load %arg4[%get3A_22, %get3A_23] : memref<128x128xf32, #tpu.memory_space<vmem>>, vector<128x128xf32>
    "tpu.trace_start"() <{level = 10 : i32, message = "gnk,kj->gnj"}> : () -> ()
    %dot_general3A = arith.constant dense<0.000000e+00> : vector<24x128x128xf32>
    %dot_general3A_25 = tpu.matmul %mul3A_17, %get3A_24, %dot_general3A {dimension_numbers = #tpu.dot_dimension_numbers<[2], [0], [0, 1], [1], [0, 0, 0, 1, 1, 1], [], []>, transpose_lhs_hint = false} : vector<24x128x128xf32>, vector<128x128xf32>, vector<24x128x128xf32> -> vector<24x128x128xf32>
    "tpu.trace_stop"() : () -> ()
    %get3A_26 = arith.constant 0 : index
    %get3A_27 = arith.constant 0 : index
    %get3A_28 = vector.load %arg5[%get3A_26, %get3A_27] : memref<128x128xf32, #tpu.memory_space<vmem>>, vector<128x128xf32>
    "tpu.trace_start"() <{level = 10 : i32, message = "gnk,kj->gnj"}> : () -> ()
    %dot_general3A_29 = arith.constant dense<0.000000e+00> : vector<24x128x128xf32>
    %dot_general3A_30 = tpu.matmul %transpose3A, %get3A_28, %dot_general3A_29 {dimension_numbers = #tpu.dot_dimension_numbers<[2], [0], [0, 1], [1], [0, 0, 0, 1, 1, 1], [], []>, transpose_lhs_hint = false} : vector<24x128x128xf32>, vector<128x128xf32>, vector<24x128x128xf32> -> vector<24x128x128xf32>
    "tpu.trace_stop"() : () -> ()
    %add3A_31 = arith.addf %dot_general3A_25, %dot_general3A_30 : vector<24x128x128xf32>
    %get3A_32 = arith.constant 0 : index
    %get3A_33 = arith.constant 0 : index
    %get3A_34 = vector.load %arg6[%get3A_32, %get3A_33] : memref<1x128xf32, #tpu.memory_space<vmem>>, vector<1x128xf32>
    %get3A_35 = vector.shape_cast %get3A_34 : vector<1x128xf32> to vector<128xf32>
    %broadcast_in_dim3A_36 = vector.shape_cast %get3A_35 : vector<128xf32> to vector<1x1x128xf32>
    %add3A_37 = vector.broadcast %broadcast_in_dim3A_36 : vector<1x1x128xf32> to vector<24x128x128xf32>
    %add3A_38 = arith.addf %add3A_31, %add3A_37 : vector<24x128x128xf32>
    %slice3A_39 = vector.extract_strided_slice %add3A_38 {offsets = [0, 0, 0], sizes = [24, 128, 64], strides = [1, 1, 1]} : vector<24x128x128xf32> to vector<24x128x64xf32>
    %reduce_sum3A = arith.constant dense<0.000000e+00> : vector<24x128xf32>
    %reduce_sum3A_40 = vector.multi_reduction <add>, %slice3A_39, %reduce_sum3A [2] : vector<24x128x64xf32> to vector<24x128xf32>
    %broadcast_in_dim3A_41 = vector.shape_cast %reduce_sum3A_40 : vector<24x128xf32> to vector<24x128x1xf32>
    %div3A_42 = arith.constant 6.400000e+01 : f32
    %div3A_43 = vector.broadcast %div3A_42 : f32 to vector<24x128x1xf32>
    %div3A_44 = arith.divf %broadcast_in_dim3A_41, %div3A_43 : vector<24x128x1xf32>
    %slice3A_45 = vector.extract_strided_slice %add3A_38 {offsets = [0, 0, 64], sizes = [24, 128, 64], strides = [1, 1, 1]} : vector<24x128x128xf32> to vector<24x128x64xf32>
    %reduce_sum3A_46 = arith.constant dense<0.000000e+00> : vector<24x128xf32>
    %reduce_sum3A_47 = vector.multi_reduction <add>, %slice3A_45, %reduce_sum3A_46 [2] : vector<24x128x64xf32> to vector<24x128xf32>
    %broadcast_in_dim3A_48 = vector.shape_cast %reduce_sum3A_47 : vector<24x128xf32> to vector<24x128x1xf32>
    %div3A_49 = arith.constant 6.400000e+01 : f32
    %div3A_50 = vector.broadcast %div3A_49 : f32 to vector<24x128x1xf32>
    %div3A_51 = arith.divf %broadcast_in_dim3A_48, %div3A_50 : vector<24x128x1xf32>
    %broadcast_in_dim3A_52 = vector.shape_cast %div3A_44 : vector<24x128x1xf32> to vector<24x128x1xf32>
    %broadcast_in_dim3A_53 = vector.broadcast %broadcast_in_dim3A_52 : vector<24x128x1xf32> to vector<24x128x64xf32>
    %broadcast_in_dim3A_54 = vector.shape_cast %div3A_51 : vector<24x128x1xf32> to vector<24x128x1xf32>
    %broadcast_in_dim3A_55 = vector.broadcast %broadcast_in_dim3A_54 : vector<24x128x1xf32> to vector<24x128x64xf32>
    %concatenate3A = tpu.concatenate %broadcast_in_dim3A_53, %broadcast_in_dim3A_55 in 2 : vector<24x128x64xf32>, vector<24x128x64xf32> -> vector<24x128x128xf32>
    %sub3A = arith.subf %add3A_38, %concatenate3A : vector<24x128x128xf32>
    %slice3A_56 = vector.extract_strided_slice %sub3A {offsets = [0, 0, 0], sizes = [24, 128, 64], strides = [1, 1, 1]} : vector<24x128x128xf32> to vector<24x128x64xf32>
    %integer_pow3A = arith.mulf %slice3A_56, %slice3A_56 : vector<24x128x64xf32>
    %reduce_sum3A_57 = arith.constant dense<0.000000e+00> : vector<24x128xf32>
    %reduce_sum3A_58 = vector.multi_reduction <add>, %integer_pow3A, %reduce_sum3A_57 [2] : vector<24x128x64xf32> to vector<24x128xf32>
    %broadcast_in_dim3A_59 = vector.shape_cast %reduce_sum3A_58 : vector<24x128xf32> to vector<24x128x1xf32>
    %div3A_60 = arith.constant 6.400000e+01 : f32
    %div3A_61 = vector.broadcast %div3A_60 : f32 to vector<24x128x1xf32>
    %div3A_62 = arith.divf %broadcast_in_dim3A_59, %div3A_61 : vector<24x128x1xf32>
    %slice3A_63 = vector.extract_strided_slice %sub3A {offsets = [0, 0, 64], sizes = [24, 128, 64], strides = [1, 1, 1]} : vector<24x128x128xf32> to vector<24x128x64xf32>
    %integer_pow3A_64 = arith.mulf %slice3A_63, %slice3A_63 : vector<24x128x64xf32>
    %reduce_sum3A_65 = arith.constant dense<0.000000e+00> : vector<24x128xf32>
    %reduce_sum3A_66 = vector.multi_reduction <add>, %integer_pow3A_64, %reduce_sum3A_65 [2] : vector<24x128x64xf32> to vector<24x128xf32>
    %broadcast_in_dim3A_67 = vector.shape_cast %reduce_sum3A_66 : vector<24x128xf32> to vector<24x128x1xf32>
    %div3A_68 = arith.constant 6.400000e+01 : f32
    %div3A_69 = vector.broadcast %div3A_68 : f32 to vector<24x128x1xf32>
    %div3A_70 = arith.divf %broadcast_in_dim3A_67, %div3A_69 : vector<24x128x1xf32>
    %broadcast_in_dim3A_71 = vector.shape_cast %div3A_62 : vector<24x128x1xf32> to vector<24x128x1xf32>
    %broadcast_in_dim3A_72 = vector.broadcast %broadcast_in_dim3A_71 : vector<24x128x1xf32> to vector<24x128x64xf32>
    %broadcast_in_dim3A_73 = vector.shape_cast %div3A_70 : vector<24x128x1xf32> to vector<24x128x1xf32>
    %broadcast_in_dim3A_74 = vector.broadcast %broadcast_in_dim3A_73 : vector<24x128x1xf32> to vector<24x128x64xf32>
    %concatenate3A_75 = tpu.concatenate %broadcast_in_dim3A_72, %broadcast_in_dim3A_74 in 2 : vector<24x128x64xf32>, vector<24x128x64xf32> -> vector<24x128x128xf32>
    %add3A_76 = arith.constant 9.99999974E-6 : f32
    %add3A_77 = vector.broadcast %add3A_76 : f32 to vector<24x128x128xf32>
    %add3A_78 = arith.addf %concatenate3A_75, %add3A_77 : vector<24x128x128xf32>
    %sqrt3A = math.sqrt %add3A_78 : vector<24x128x128xf32>
    %div3A_79 = arith.divf %sub3A, %sqrt3A : vector<24x128x128xf32>
    %get3A_80 = arith.constant 0 : index
    %get3A_81 = arith.constant 0 : index
    %get3A_82 = vector.load %arg7[%get3A_80, %get3A_81] : memref<1x128xf32, #tpu.memory_space<vmem>>, vector<1x128xf32>
    %get3A_83 = vector.shape_cast %get3A_82 : vector<1x128xf32> to vector<128xf32>
    %broadcast_in_dim3A_84 = vector.shape_cast %get3A_83 : vector<128xf32> to vector<1x1x128xf32>
    %mul3A_85 = vector.broadcast %broadcast_in_dim3A_84 : vector<1x1x128xf32> to vector<24x128x128xf32>
    %mul3A_86 = arith.mulf %div3A_79, %mul3A_85 : vector<24x128x128xf32>
    %get3A_87 = arith.constant 0 : index
    %get3A_88 = arith.constant 0 : index
    %get3A_89 = vector.load %arg8[%get3A_87, %get3A_88] : memref<1x128xf32, #tpu.memory_space<vmem>>, vector<1x128xf32>
    %get3A_90 = vector.shape_cast %get3A_89 : vector<1x128xf32> to vector<128xf32>
    %broadcast_in_dim3A_91 = vector.shape_cast %get3A_90 : vector<128xf32> to vector<1x1x128xf32>
    %add3A_92 = vector.broadcast %broadcast_in_dim3A_91 : vector<1x1x128xf32> to vector<24x128x128xf32>
    %add3A_93 = arith.addf %mul3A_86, %add3A_92 : vector<24x128x128xf32>
    %max3A_94 = arith.constant 0.000000e+00 : f32
    %max3A_95 = vector.broadcast %max3A_94 : f32 to vector<24x128x128xf32>
    %max3A_96 = arith.maximumf %add3A_93, %max3A_95 : vector<24x128x128xf32>
    %iota3A = tpu.iota {dimensions = array<i32: 1>} : vector<1x128x1xi32>
    %mul3A_97 = arith.constant 128 : i32
    %mul3A_98 = arith.muli %arg0, %mul3A_97 : i32
    %add3A_99 = vector.broadcast %mul3A_98 : i32 to vector<1x128x1xi32>
    %add3A_100 = arith.addi %iota3A, %add3A_99 : vector<1x128x1xi32>
    %lt3A = arith.constant 10000 : i32
    %lt3A_101 = vector.broadcast %lt3A : i32 to vector<1x128x1xi32>
    %lt3A_102 = arith.cmpi slt, %add3A_100, %lt3A_101 : vector<1x128x1xi32>
    %jit3A = arith.constant 0.000000e+00 : f32
    %broadcast_in_dim3A_103 = vector.shape_cast %lt3A_102 : vector<1x128x1xi1> to vector<1x128x1xi1>
    %broadcast_in_dim3A_104 = vector.broadcast %broadcast_in_dim3A_103 : vector<1x128x1xi1> to vector<24x128x128xi1>
    %broadcast_in_dim3A_105 = vector.broadcast %jit3A : f32 to vector<24x128x128xf32>
    %select_n3A = arith.select %broadcast_in_dim3A_104, %max3A_96, %broadcast_in_dim3A_105 : vector<24x128x128xi1>, vector<24x128x128xf32>
    %reduce_sum3A_106 = arith.constant dense<0.000000e+00> : vector<24x128xf32>
    %reduce_sum3A_107 = vector.multi_reduction <add>, %select_n3A, %reduce_sum3A_106 [1] : vector<24x128x128xf32> to vector<24x128xf32>
    %eq3A = arith.constant 0 : i32
    %eq3A_108 = arith.cmpi eq, %arg0, %eq3A : i32
    %convert_element_type3A = arith.extui %eq3A_108 : i1 to i32
    %cond3A = arith.constant 0 : i32
    %cond3A_109 = arith.cmpi ne, %convert_element_type3A, %cond3A : i32
    scf.if %cond3A_109 {
      %broadcast_in_dim3A_116 = arith.constant 0.000000e+00 : f32
      %broadcast_in_dim3A_117 = vector.broadcast %broadcast_in_dim3A_116 : f32 to vector<24x128xf32>
      %swap3A_118 = arith.constant 0 : index
      %swap3A_119 = arith.constant 0 : index
      %swap3A_120 = vector.load %arg9[%swap3A_118, %swap3A_119] : memref<24x128xf32, #tpu.memory_space<vmem>>, vector<24x128xf32>
      tpu.vector_store %arg9[%swap3A_118, %swap3A_119], %broadcast_in_dim3A_117 {strides = array<i32>} : memref<24x128xf32, #tpu.memory_space<vmem>>, vector<24x128xf32>,
    } else {
    }
    %get3A_110 = arith.constant 0 : index
    %get3A_111 = arith.constant 0 : index
    %get3A_112 = vector.load %arg9[%get3A_110, %get3A_111] : memref<24x128xf32, #tpu.memory_space<vmem>>, vector<24x128xf32>
    %add3A_113 = arith.addf %get3A_112, %reduce_sum3A_107 : vector<24x128xf32>
    %swap3A = arith.constant 0 : index
    %swap3A_114 = arith.constant 0 : index
    %swap3A_115 = vector.load %arg9[%swap3A, %swap3A_114] : memref<24x128xf32, #tpu.memory_space<vmem>>, vector<24x128xf32>
    tpu.vector_store %arg9[%swap3A, %swap3A_114], %add3A_113 {strides = array<i32>} : memref<24x128xf32, #tpu.memory_space<vmem>>, vector<24x128xf32>,
    return
  }
  func.func @transform_0(%arg0: i32) -> (i32, i32, i32) {
    %c0_i32 = arith.constant 0 : i32
    %c0_i32_0 = arith.constant 0 : i32
    %c0_i32_1 = arith.constant 0 : i32
    return %c0_i32, %arg0, %c0_i32_0 : i32, i32, i32
  }
  func.func @transform_1(%arg0: i32) -> (i32, i32, i32) {
    %c0_i32 = arith.constant 0 : i32
    %c0_i32_0 = arith.constant 0 : i32
    %c0_i32_1 = arith.constant 0 : i32
    return %arg0, %c0_i32, %c0_i32_0 : i32, i32, i32
  }
  func.func @transform_2(%arg0: i32) -> (i32, i32, i32) {
    %c0_i32 = arith.constant 0 : i32
    %c0_i32_0 = arith.constant 0 : i32
    %c0_i32_1 = arith.constant 0 : i32
    return %c0_i32, %arg0, %c0_i32_0 : i32, i32, i32
  }
  func.func @transform_3(%arg0: i32) -> (i32, i32) {
    %c0_i32 = arith.constant 0 : i32
    %c0_i32_0 = arith.constant 0 : i32
    %c0_i32_1 = arith.constant 0 : i32
    return %c0_i32, %c0_i32_0 : i32, i32
  }
  func.func @transform_4(%arg0: i32) -> (i32, i32) {
    %c0_i32 = arith.constant 0 : i32
    %c0_i32_0 = arith.constant 0 : i32
    %c0_i32_1 = arith.constant 0 : i32
    return %c0_i32, %c0_i32_0 : i32, i32
  }
  func.func @transform_5(%arg0: i32) -> (i32, i32) {
    %c0_i32 = arith.constant 0 : i32
    %c0_i32_0 = arith.constant 0 : i32
    %c0_i32_1 = arith.constant 0 : i32
    return %c0_i32, %c0_i32_0 : i32, i32
  }
  func.func @transform_6(%arg0: i32) -> (i32, i32) {
    %c0_i32 = arith.constant 0 : i32
    %c0_i32_0 = arith.constant 0 : i32
    %c0_i32_1 = arith.constant 0 : i32
    return %c0_i32, %c0_i32_0 : i32, i32
  }
  func.func @transform_7(%arg0: i32) -> (i32, i32) {
    %c0_i32 = arith.constant 0 : i32
    %c0_i32_0 = arith.constant 0 : i32
    %c0_i32_1 = arith.constant 0 : i32
    return %c0_i32, %c0_i32_0 : i32, i32
  }
  func.func @transform_8(%arg0: i32) -> (i32, i32) {
    %c0_i32 = arith.constant 0 : i32
    %c0_i32_0 = arith.constant 0 : i32
    %c0_i32_1 = arith.constant 0 : i32
    return %c0_i32, %c0_i32_0 : i32, i32
  }
}

module attributes {stable_mosaic.version = 14 : i64} {
  func.func @_gru_body(%arg0: memref<48x64xf32, #tpu.memory_space<vmem>>, %arg1: memref<64x384xf32, #tpu.memory_space<vmem>>, %arg2: memref<128x384xf32, #tpu.memory_space<vmem>>, %arg3: memref<1x384xf32, #tpu.memory_space<vmem>>, %arg4: memref<1x384xf32, #tpu.memory_space<vmem>>, %arg5: memref<1x128xf32, #tpu.memory_space<vmem>>, %arg6: memref<1x1xf32, #tpu.memory_space<vmem>>, %arg7: memref<4x128xf32, #tpu.memory_space<vmem>>) attributes {dimension_semantics = [], scalar_prefetch = 0 : i64, scratch_operands = 0 : i64, tpu.core_type = #tpu.core_type<tc>} {
    %get3A = arith.constant 0 : index
    %get3A_0 = arith.constant 0 : index
    %get3A_1 = vector.load %arg0[%get3A, %get3A_0] : memref<48x64xf32, #tpu.memory_space<vmem>>, vector<48x64xf32>
    %mul3A = arith.constant 9.99999974E-5 : f32
    %mul3A_2 = vector.broadcast %mul3A : f32 to vector<48x64xf32>
    %mul3A_3 = arith.mulf %get3A_1, %mul3A_2 : vector<48x64xf32>
    %broadcast_in_dim3A = arith.constant 0.000000e+00 : f32
    %broadcast_in_dim3A_4 = vector.broadcast %broadcast_in_dim3A : f32 to vector<4x128xf32>
    %slice3A = vector.extract_strided_slice %mul3A_3 {offsets = [0, 0], sizes = [4, 64], strides = [1, 1]} : vector<48x64xf32> to vector<4x64xf32>
    %get3A_5 = arith.constant 0 : index
    %get3A_6 = arith.constant 0 : index
    %get3A_7 = vector.load %arg1[%get3A_5, %get3A_6] : memref<64x384xf32, #tpu.memory_space<vmem>>, vector<64x384xf32>
    %dot_general3A = arith.constant dense<0.000000e+00> : vector<4x384xf32>
    %dot_general3A_8 = tpu.matmul %slice3A, %get3A_7, %dot_general3A {dimension_numbers = #tpu.dot_dimension_numbers<[1], [0], [0], [1], [0, 0, 1, 1], [], []>, transpose_lhs_hint = false} : vector<4x64xf32>, vector<64x384xf32>, vector<4x384xf32> -> vector<4x384xf32>
    %get3A_9 = arith.constant 0 : index
    %get3A_10 = arith.constant 0 : index
    %get3A_11 = vector.load %arg3[%get3A_9, %get3A_10] : memref<1x384xf32, #tpu.memory_space<vmem>>, vector<1x384xf32>
    %get3A_12 = vector.shape_cast %get3A_11 : vector<1x384xf32> to vector<384xf32>
    %broadcast_in_dim3A_13 = vector.shape_cast %get3A_12 : vector<384xf32> to vector<1x384xf32>
    %add3A = vector.broadcast %broadcast_in_dim3A_13 : vector<1x384xf32> to vector<4x384xf32>
    %add3A_14 = arith.addf %dot_general3A_8, %add3A : vector<4x384xf32>
    %get3A_15 = arith.constant 0 : index
    %get3A_16 = arith.constant 0 : index
    %get3A_17 = vector.load %arg2[%get3A_15, %get3A_16] : memref<128x384xf32, #tpu.memory_space<vmem>>, vector<128x384xf32>
    %dot_general3A_18 = arith.constant dense<0.000000e+00> : vector<4x384xf32>
    %dot_general3A_19 = tpu.matmul %broadcast_in_dim3A_4, %get3A_17, %dot_general3A_18 {dimension_numbers = #tpu.dot_dimension_numbers<[1], [0], [0], [1], [0, 0, 1, 1], [], []>, transpose_lhs_hint = false} : vector<4x128xf32>, vector<128x384xf32>, vector<4x384xf32> -> vector<4x384xf32>
    %get3A_20 = arith.constant 0 : index
    %get3A_21 = arith.constant 0 : index
    %get3A_22 = vector.load %arg4[%get3A_20, %get3A_21] : memref<1x384xf32, #tpu.memory_space<vmem>>, vector<1x384xf32>
    %get3A_23 = vector.shape_cast %get3A_22 : vector<1x384xf32> to vector<384xf32>
    %broadcast_in_dim3A_24 = vector.shape_cast %get3A_23 : vector<384xf32> to vector<1x384xf32>
    %add3A_25 = vector.broadcast %broadcast_in_dim3A_24 : vector<1x384xf32> to vector<4x384xf32>
    %add3A_26 = arith.addf %dot_general3A_19, %add3A_25 : vector<4x384xf32>
    %slice3A_27 = vector.extract_strided_slice %add3A_14 {offsets = [0, 0], sizes = [4, 128], strides = [1, 1]} : vector<4x384xf32> to vector<4x128xf32>
    %slice3A_28 = vector.extract_strided_slice %add3A_26 {offsets = [0, 0], sizes = [4, 128], strides = [1, 1]} : vector<4x384xf32> to vector<4x128xf32>
    %add3A_29 = arith.addf %slice3A_27, %slice3A_28 : vector<4x128xf32>
    %logistic3A = arith.negf %add3A_29 : vector<4x128xf32>
    %logistic3A_30 = math.exp %logistic3A : vector<4x128xf32>
    %logistic3A_31 = arith.constant 1.000000e+00 : f32
    %logistic3A_32 = vector.broadcast %logistic3A_31 : f32 to vector<4x128xf32>
    %logistic3A_33 = arith.addf %logistic3A_32, %logistic3A_30 : vector<4x128xf32>
    %logistic3A_34 = arith.divf %logistic3A_32, %logistic3A_33 : vector<4x128xf32>
    %slice3A_35 = vector.extract_strided_slice %add3A_14 {offsets = [0, 128], sizes = [4, 128], strides = [1, 1]} : vector<4x384xf32> to vector<4x128xf32>
    %slice3A_36 = vector.extract_strided_slice %add3A_26 {offsets = [0, 128], sizes = [4, 128], strides = [1, 1]} : vector<4x384xf32> to vector<4x128xf32>
    %add3A_37 = arith.addf %slice3A_35, %slice3A_36 : vector<4x128xf32>
    %logistic3A_38 = arith.negf %add3A_37 : vector<4x128xf32>
    %logistic3A_39 = math.exp %logistic3A_38 : vector<4x128xf32>
    %logistic3A_40 = arith.constant 1.000000e+00 : f32
    %logistic3A_41 = vector.broadcast %logistic3A_40 : f32 to vector<4x128xf32>
    %logistic3A_42 = arith.addf %logistic3A_41, %logistic3A_39 : vector<4x128xf32>
    %logistic3A_43 = arith.divf %logistic3A_41, %logistic3A_42 : vector<4x128xf32>
    %slice3A_44 = vector.extract_strided_slice %add3A_14 {offsets = [0, 256], sizes = [4, 128], strides = [1, 1]} : vector<4x384xf32> to vector<4x128xf32>
    %slice3A_45 = vector.extract_strided_slice %add3A_26 {offsets = [0, 256], sizes = [4, 128], strides = [1, 1]} : vector<4x384xf32> to vector<4x128xf32>
    %mul3A_46 = arith.mulf %logistic3A_34, %slice3A_45 : vector<4x128xf32>
    %add3A_47 = arith.addf %slice3A_44, %mul3A_46 : vector<4x128xf32>
    %tanh3A = math.tanh %add3A_47 : vector<4x128xf32>
    %sub3A = arith.constant 1.000000e+00 : f32
    %sub3A_48 = vector.broadcast %sub3A : f32 to vector<4x128xf32>
    %sub3A_49 = arith.subf %sub3A_48, %logistic3A_43 : vector<4x128xf32>
    %mul3A_50 = arith.mulf %sub3A_49, %tanh3A : vector<4x128xf32>
    %mul3A_51 = arith.mulf %logistic3A_43, %broadcast_in_dim3A_4 : vector<4x128xf32>
    %add3A_52 = arith.addf %mul3A_50, %mul3A_51 : vector<4x128xf32>
    %slice3A_53 = vector.extract_strided_slice %mul3A_3 {offsets = [4, 0], sizes = [4, 64], strides = [1, 1]} : vector<48x64xf32> to vector<4x64xf32>
    %get3A_54 = arith.constant 0 : index
    %get3A_55 = arith.constant 0 : index
    %get3A_56 = vector.load %arg1[%get3A_54, %get3A_55] : memref<64x384xf32, #tpu.memory_space<vmem>>, vector<64x384xf32>
    %dot_general3A_57 = arith.constant dense<0.000000e+00> : vector<4x384xf32>
    %dot_general3A_58 = tpu.matmul %slice3A_53, %get3A_56, %dot_general3A_57 {dimension_numbers = #tpu.dot_dimension_numbers<[1], [0], [0], [1], [0, 0, 1, 1], [], []>, transpose_lhs_hint = false} : vector<4x64xf32>, vector<64x384xf32>, vector<4x384xf32> -> vector<4x384xf32>
    %get3A_59 = arith.constant 0 : index
    %get3A_60 = arith.constant 0 : index
    %get3A_61 = vector.load %arg3[%get3A_59, %get3A_60] : memref<1x384xf32, #tpu.memory_space<vmem>>, vector<1x384xf32>
    %get3A_62 = vector.shape_cast %get3A_61 : vector<1x384xf32> to vector<384xf32>
    %broadcast_in_dim3A_63 = vector.shape_cast %get3A_62 : vector<384xf32> to vector<1x384xf32>
    %add3A_64 = vector.broadcast %broadcast_in_dim3A_63 : vector<1x384xf32> to vector<4x384xf32>
    %add3A_65 = arith.addf %dot_general3A_58, %add3A_64 : vector<4x384xf32>
    %get3A_66 = arith.constant 0 : index
    %get3A_67 = arith.constant 0 : index
    %get3A_68 = vector.load %arg2[%get3A_66, %get3A_67] : memref<128x384xf32, #tpu.memory_space<vmem>>, vector<128x384xf32>
    %dot_general3A_69 = arith.constant dense<0.000000e+00> : vector<4x384xf32>
    %dot_general3A_70 = tpu.matmul %add3A_52, %get3A_68, %dot_general3A_69 {dimension_numbers = #tpu.dot_dimension_numbers<[1], [0], [0], [1], [0, 0, 1, 1], [], []>, transpose_lhs_hint = false} : vector<4x128xf32>, vector<128x384xf32>, vector<4x384xf32> -> vector<4x384xf32>
    %get3A_71 = arith.constant 0 : index
    %get3A_72 = arith.constant 0 : index
    %get3A_73 = vector.load %arg4[%get3A_71, %get3A_72] : memref<1x384xf32, #tpu.memory_space<vmem>>, vector<1x384xf32>
    %get3A_74 = vector.shape_cast %get3A_73 : vector<1x384xf32> to vector<384xf32>
    %broadcast_in_dim3A_75 = vector.shape_cast %get3A_74 : vector<384xf32> to vector<1x384xf32>
    %add3A_76 = vector.broadcast %broadcast_in_dim3A_75 : vector<1x384xf32> to vector<4x384xf32>
    %add3A_77 = arith.addf %dot_general3A_70, %add3A_76 : vector<4x384xf32>
    %slice3A_78 = vector.extract_strided_slice %add3A_65 {offsets = [0, 0], sizes = [4, 128], strides = [1, 1]} : vector<4x384xf32> to vector<4x128xf32>
    %slice3A_79 = vector.extract_strided_slice %add3A_77 {offsets = [0, 0], sizes = [4, 128], strides = [1, 1]} : vector<4x384xf32> to vector<4x128xf32>
    %add3A_80 = arith.addf %slice3A_78, %slice3A_79 : vector<4x128xf32>
    %logistic3A_81 = arith.negf %add3A_80 : vector<4x128xf32>
    %logistic3A_82 = math.exp %logistic3A_81 : vector<4x128xf32>
    %logistic3A_83 = arith.constant 1.000000e+00 : f32
    %logistic3A_84 = vector.broadcast %logistic3A_83 : f32 to vector<4x128xf32>
    %logistic3A_85 = arith.addf %logistic3A_84, %logistic3A_82 : vector<4x128xf32>
    %logistic3A_86 = arith.divf %logistic3A_84, %logistic3A_85 : vector<4x128xf32>
    %slice3A_87 = vector.extract_strided_slice %add3A_65 {offsets = [0, 128], sizes = [4, 128], strides = [1, 1]} : vector<4x384xf32> to vector<4x128xf32>
    %slice3A_88 = vector.extract_strided_slice %add3A_77 {offsets = [0, 128], sizes = [4, 128], strides = [1, 1]} : vector<4x384xf32> to vector<4x128xf32>
    %add3A_89 = arith.addf %slice3A_87, %slice3A_88 : vector<4x128xf32>
    %logistic3A_90 = arith.negf %add3A_89 : vector<4x128xf32>
    %logistic3A_91 = math.exp %logistic3A_90 : vector<4x128xf32>
    %logistic3A_92 = arith.constant 1.000000e+00 : f32
    %logistic3A_93 = vector.broadcast %logistic3A_92 : f32 to vector<4x128xf32>
    %logistic3A_94 = arith.addf %logistic3A_93, %logistic3A_91 : vector<4x128xf32>
    %logistic3A_95 = arith.divf %logistic3A_93, %logistic3A_94 : vector<4x128xf32>
    %slice3A_96 = vector.extract_strided_slice %add3A_65 {offsets = [0, 256], sizes = [4, 128], strides = [1, 1]} : vector<4x384xf32> to vector<4x128xf32>
    %slice3A_97 = vector.extract_strided_slice %add3A_77 {offsets = [0, 256], sizes = [4, 128], strides = [1, 1]} : vector<4x384xf32> to vector<4x128xf32>
    %mul3A_98 = arith.mulf %logistic3A_86, %slice3A_97 : vector<4x128xf32>
    %add3A_99 = arith.addf %slice3A_96, %mul3A_98 : vector<4x128xf32>
    %tanh3A_100 = math.tanh %add3A_99 : vector<4x128xf32>
    %sub3A_101 = arith.constant 1.000000e+00 : f32
    %sub3A_102 = vector.broadcast %sub3A_101 : f32 to vector<4x128xf32>
    %sub3A_103 = arith.subf %sub3A_102, %logistic3A_95 : vector<4x128xf32>
    %mul3A_104 = arith.mulf %sub3A_103, %tanh3A_100 : vector<4x128xf32>
    %mul3A_105 = arith.mulf %logistic3A_95, %add3A_52 : vector<4x128xf32>
    %add3A_106 = arith.addf %mul3A_104, %mul3A_105 : vector<4x128xf32>
    %slice3A_107 = vector.extract_strided_slice %mul3A_3 {offsets = [8, 0], sizes = [4, 64], strides = [1, 1]} : vector<48x64xf32> to vector<4x64xf32>
    %get3A_108 = arith.constant 0 : index
    %get3A_109 = arith.constant 0 : index
    %get3A_110 = vector.load %arg1[%get3A_108, %get3A_109] : memref<64x384xf32, #tpu.memory_space<vmem>>, vector<64x384xf32>
    %dot_general3A_111 = arith.constant dense<0.000000e+00> : vector<4x384xf32>
    %dot_general3A_112 = tpu.matmul %slice3A_107, %get3A_110, %dot_general3A_111 {dimension_numbers = #tpu.dot_dimension_numbers<[1], [0], [0], [1], [0, 0, 1, 1], [], []>, transpose_lhs_hint = false} : vector<4x64xf32>, vector<64x384xf32>, vector<4x384xf32> -> vector<4x384xf32>
    %get3A_113 = arith.constant 0 : index
    %get3A_114 = arith.constant 0 : index
    %get3A_115 = vector.load %arg3[%get3A_113, %get3A_114] : memref<1x384xf32, #tpu.memory_space<vmem>>, vector<1x384xf32>
    %get3A_116 = vector.shape_cast %get3A_115 : vector<1x384xf32> to vector<384xf32>
    %broadcast_in_dim3A_117 = vector.shape_cast %get3A_116 : vector<384xf32> to vector<1x384xf32>
    %add3A_118 = vector.broadcast %broadcast_in_dim3A_117 : vector<1x384xf32> to vector<4x384xf32>
    %add3A_119 = arith.addf %dot_general3A_112, %add3A_118 : vector<4x384xf32>
    %get3A_120 = arith.constant 0 : index
    %get3A_121 = arith.constant 0 : index
    %get3A_122 = vector.load %arg2[%get3A_120, %get3A_121] : memref<128x384xf32, #tpu.memory_space<vmem>>, vector<128x384xf32>
    %dot_general3A_123 = arith.constant dense<0.000000e+00> : vector<4x384xf32>
    %dot_general3A_124 = tpu.matmul %add3A_106, %get3A_122, %dot_general3A_123 {dimension_numbers = #tpu.dot_dimension_numbers<[1], [0], [0], [1], [0, 0, 1, 1], [], []>, transpose_lhs_hint = false} : vector<4x128xf32>, vector<128x384xf32>, vector<4x384xf32> -> vector<4x384xf32>
    %get3A_125 = arith.constant 0 : index
    %get3A_126 = arith.constant 0 : index
    %get3A_127 = vector.load %arg4[%get3A_125, %get3A_126] : memref<1x384xf32, #tpu.memory_space<vmem>>, vector<1x384xf32>
    %get3A_128 = vector.shape_cast %get3A_127 : vector<1x384xf32> to vector<384xf32>
    %broadcast_in_dim3A_129 = vector.shape_cast %get3A_128 : vector<384xf32> to vector<1x384xf32>
    %add3A_130 = vector.broadcast %broadcast_in_dim3A_129 : vector<1x384xf32> to vector<4x384xf32>
    %add3A_131 = arith.addf %dot_general3A_124, %add3A_130 : vector<4x384xf32>
    %slice3A_132 = vector.extract_strided_slice %add3A_119 {offsets = [0, 0], sizes = [4, 128], strides = [1, 1]} : vector<4x384xf32> to vector<4x128xf32>
    %slice3A_133 = vector.extract_strided_slice %add3A_131 {offsets = [0, 0], sizes = [4, 128], strides = [1, 1]} : vector<4x384xf32> to vector<4x128xf32>
    %add3A_134 = arith.addf %slice3A_132, %slice3A_133 : vector<4x128xf32>
    %logistic3A_135 = arith.negf %add3A_134 : vector<4x128xf32>
    %logistic3A_136 = math.exp %logistic3A_135 : vector<4x128xf32>
    %logistic3A_137 = arith.constant 1.000000e+00 : f32
    %logistic3A_138 = vector.broadcast %logistic3A_137 : f32 to vector<4x128xf32>
    %logistic3A_139 = arith.addf %logistic3A_138, %logistic3A_136 : vector<4x128xf32>
    %logistic3A_140 = arith.divf %logistic3A_138, %logistic3A_139 : vector<4x128xf32>
    %slice3A_141 = vector.extract_strided_slice %add3A_119 {offsets = [0, 128], sizes = [4, 128], strides = [1, 1]} : vector<4x384xf32> to vector<4x128xf32>
    %slice3A_142 = vector.extract_strided_slice %add3A_131 {offsets = [0, 128], sizes = [4, 128], strides = [1, 1]} : vector<4x384xf32> to vector<4x128xf32>
    %add3A_143 = arith.addf %slice3A_141, %slice3A_142 : vector<4x128xf32>
    %logistic3A_144 = arith.negf %add3A_143 : vector<4x128xf32>
    %logistic3A_145 = math.exp %logistic3A_144 : vector<4x128xf32>
    %logistic3A_146 = arith.constant 1.000000e+00 : f32
    %logistic3A_147 = vector.broadcast %logistic3A_146 : f32 to vector<4x128xf32>
    %logistic3A_148 = arith.addf %logistic3A_147, %logistic3A_145 : vector<4x128xf32>
    %logistic3A_149 = arith.divf %logistic3A_147, %logistic3A_148 : vector<4x128xf32>
    %slice3A_150 = vector.extract_strided_slice %add3A_119 {offsets = [0, 256], sizes = [4, 128], strides = [1, 1]} : vector<4x384xf32> to vector<4x128xf32>
    %slice3A_151 = vector.extract_strided_slice %add3A_131 {offsets = [0, 256], sizes = [4, 128], strides = [1, 1]} : vector<4x384xf32> to vector<4x128xf32>
    %mul3A_152 = arith.mulf %logistic3A_140, %slice3A_151 : vector<4x128xf32>
    %add3A_153 = arith.addf %slice3A_150, %mul3A_152 : vector<4x128xf32>
    %tanh3A_154 = math.tanh %add3A_153 : vector<4x128xf32>
    %sub3A_155 = arith.constant 1.000000e+00 : f32
    %sub3A_156 = vector.broadcast %sub3A_155 : f32 to vector<4x128xf32>
    %sub3A_157 = arith.subf %sub3A_156, %logistic3A_149 : vector<4x128xf32>
    %mul3A_158 = arith.mulf %sub3A_157, %tanh3A_154 : vector<4x128xf32>
    %mul3A_159 = arith.mulf %logistic3A_149, %add3A_106 : vector<4x128xf32>
    %add3A_160 = arith.addf %mul3A_158, %mul3A_159 : vector<4x128xf32>
    %slice3A_161 = vector.extract_strided_slice %mul3A_3 {offsets = [12, 0], sizes = [4, 64], strides = [1, 1]} : vector<48x64xf32> to vector<4x64xf32>
    %get3A_162 = arith.constant 0 : index
    %get3A_163 = arith.constant 0 : index
    %get3A_164 = vector.load %arg1[%get3A_162, %get3A_163] : memref<64x384xf32, #tpu.memory_space<vmem>>, vector<64x384xf32>
    %dot_general3A_165 = arith.constant dense<0.000000e+00> : vector<4x384xf32>
    %dot_general3A_166 = tpu.matmul %slice3A_161, %get3A_164, %dot_general3A_165 {dimension_numbers = #tpu.dot_dimension_numbers<[1], [0], [0], [1], [0, 0, 1, 1], [], []>, transpose_lhs_hint = false} : vector<4x64xf32>, vector<64x384xf32>, vector<4x384xf32> -> vector<4x384xf32>
    %get3A_167 = arith.constant 0 : index
    %get3A_168 = arith.constant 0 : index
    %get3A_169 = vector.load %arg3[%get3A_167, %get3A_168] : memref<1x384xf32, #tpu.memory_space<vmem>>, vector<1x384xf32>
    %get3A_170 = vector.shape_cast %get3A_169 : vector<1x384xf32> to vector<384xf32>
    %broadcast_in_dim3A_171 = vector.shape_cast %get3A_170 : vector<384xf32> to vector<1x384xf32>
    %add3A_172 = vector.broadcast %broadcast_in_dim3A_171 : vector<1x384xf32> to vector<4x384xf32>
    %add3A_173 = arith.addf %dot_general3A_166, %add3A_172 : vector<4x384xf32>
    %get3A_174 = arith.constant 0 : index
    %get3A_175 = arith.constant 0 : index
    %get3A_176 = vector.load %arg2[%get3A_174, %get3A_175] : memref<128x384xf32, #tpu.memory_space<vmem>>, vector<128x384xf32>
    %dot_general3A_177 = arith.constant dense<0.000000e+00> : vector<4x384xf32>
    %dot_general3A_178 = tpu.matmul %add3A_160, %get3A_176, %dot_general3A_177 {dimension_numbers = #tpu.dot_dimension_numbers<[1], [0], [0], [1], [0, 0, 1, 1], [], []>, transpose_lhs_hint = false} : vector<4x128xf32>, vector<128x384xf32>, vector<4x384xf32> -> vector<4x384xf32>
    %get3A_179 = arith.constant 0 : index
    %get3A_180 = arith.constant 0 : index
    %get3A_181 = vector.load %arg4[%get3A_179, %get3A_180] : memref<1x384xf32, #tpu.memory_space<vmem>>, vector<1x384xf32>
    %get3A_182 = vector.shape_cast %get3A_181 : vector<1x384xf32> to vector<384xf32>
    %broadcast_in_dim3A_183 = vector.shape_cast %get3A_182 : vector<384xf32> to vector<1x384xf32>
    %add3A_184 = vector.broadcast %broadcast_in_dim3A_183 : vector<1x384xf32> to vector<4x384xf32>
    %add3A_185 = arith.addf %dot_general3A_178, %add3A_184 : vector<4x384xf32>
    %slice3A_186 = vector.extract_strided_slice %add3A_173 {offsets = [0, 0], sizes = [4, 128], strides = [1, 1]} : vector<4x384xf32> to vector<4x128xf32>
    %slice3A_187 = vector.extract_strided_slice %add3A_185 {offsets = [0, 0], sizes = [4, 128], strides = [1, 1]} : vector<4x384xf32> to vector<4x128xf32>
    %add3A_188 = arith.addf %slice3A_186, %slice3A_187 : vector<4x128xf32>
    %logistic3A_189 = arith.negf %add3A_188 : vector<4x128xf32>
    %logistic3A_190 = math.exp %logistic3A_189 : vector<4x128xf32>
    %logistic3A_191 = arith.constant 1.000000e+00 : f32
    %logistic3A_192 = vector.broadcast %logistic3A_191 : f32 to vector<4x128xf32>
    %logistic3A_193 = arith.addf %logistic3A_192, %logistic3A_190 : vector<4x128xf32>
    %logistic3A_194 = arith.divf %logistic3A_192, %logistic3A_193 : vector<4x128xf32>
    %slice3A_195 = vector.extract_strided_slice %add3A_173 {offsets = [0, 128], sizes = [4, 128], strides = [1, 1]} : vector<4x384xf32> to vector<4x128xf32>
    %slice3A_196 = vector.extract_strided_slice %add3A_185 {offsets = [0, 128], sizes = [4, 128], strides = [1, 1]} : vector<4x384xf32> to vector<4x128xf32>
    %add3A_197 = arith.addf %slice3A_195, %slice3A_196 : vector<4x128xf32>
    %logistic3A_198 = arith.negf %add3A_197 : vector<4x128xf32>
    %logistic3A_199 = math.exp %logistic3A_198 : vector<4x128xf32>
    %logistic3A_200 = arith.constant 1.000000e+00 : f32
    %logistic3A_201 = vector.broadcast %logistic3A_200 : f32 to vector<4x128xf32>
    %logistic3A_202 = arith.addf %logistic3A_201, %logistic3A_199 : vector<4x128xf32>
    %logistic3A_203 = arith.divf %logistic3A_201, %logistic3A_202 : vector<4x128xf32>
    %slice3A_204 = vector.extract_strided_slice %add3A_173 {offsets = [0, 256], sizes = [4, 128], strides = [1, 1]} : vector<4x384xf32> to vector<4x128xf32>
    %slice3A_205 = vector.extract_strided_slice %add3A_185 {offsets = [0, 256], sizes = [4, 128], strides = [1, 1]} : vector<4x384xf32> to vector<4x128xf32>
    %mul3A_206 = arith.mulf %logistic3A_194, %slice3A_205 : vector<4x128xf32>
    %add3A_207 = arith.addf %slice3A_204, %mul3A_206 : vector<4x128xf32>
    %tanh3A_208 = math.tanh %add3A_207 : vector<4x128xf32>
    %sub3A_209 = arith.constant 1.000000e+00 : f32
    %sub3A_210 = vector.broadcast %sub3A_209 : f32 to vector<4x128xf32>
    %sub3A_211 = arith.subf %sub3A_210, %logistic3A_203 : vector<4x128xf32>
    %mul3A_212 = arith.mulf %sub3A_211, %tanh3A_208 : vector<4x128xf32>
    %mul3A_213 = arith.mulf %logistic3A_203, %add3A_160 : vector<4x128xf32>
    %add3A_214 = arith.addf %mul3A_212, %mul3A_213 : vector<4x128xf32>
    %slice3A_215 = vector.extract_strided_slice %mul3A_3 {offsets = [16, 0], sizes = [4, 64], strides = [1, 1]} : vector<48x64xf32> to vector<4x64xf32>
    %get3A_216 = arith.constant 0 : index
    %get3A_217 = arith.constant 0 : index
    %get3A_218 = vector.load %arg1[%get3A_216, %get3A_217] : memref<64x384xf32, #tpu.memory_space<vmem>>, vector<64x384xf32>
    %dot_general3A_219 = arith.constant dense<0.000000e+00> : vector<4x384xf32>
    %dot_general3A_220 = tpu.matmul %slice3A_215, %get3A_218, %dot_general3A_219 {dimension_numbers = #tpu.dot_dimension_numbers<[1], [0], [0], [1], [0, 0, 1, 1], [], []>, transpose_lhs_hint = false} : vector<4x64xf32>, vector<64x384xf32>, vector<4x384xf32> -> vector<4x384xf32>
    %get3A_221 = arith.constant 0 : index
    %get3A_222 = arith.constant 0 : index
    %get3A_223 = vector.load %arg3[%get3A_221, %get3A_222] : memref<1x384xf32, #tpu.memory_space<vmem>>, vector<1x384xf32>
    %get3A_224 = vector.shape_cast %get3A_223 : vector<1x384xf32> to vector<384xf32>
    %broadcast_in_dim3A_225 = vector.shape_cast %get3A_224 : vector<384xf32> to vector<1x384xf32>
    %add3A_226 = vector.broadcast %broadcast_in_dim3A_225 : vector<1x384xf32> to vector<4x384xf32>
    %add3A_227 = arith.addf %dot_general3A_220, %add3A_226 : vector<4x384xf32>
    %get3A_228 = arith.constant 0 : index
    %get3A_229 = arith.constant 0 : index
    %get3A_230 = vector.load %arg2[%get3A_228, %get3A_229] : memref<128x384xf32, #tpu.memory_space<vmem>>, vector<128x384xf32>
    %dot_general3A_231 = arith.constant dense<0.000000e+00> : vector<4x384xf32>
    %dot_general3A_232 = tpu.matmul %add3A_214, %get3A_230, %dot_general3A_231 {dimension_numbers = #tpu.dot_dimension_numbers<[1], [0], [0], [1], [0, 0, 1, 1], [], []>, transpose_lhs_hint = false} : vector<4x128xf32>, vector<128x384xf32>, vector<4x384xf32> -> vector<4x384xf32>
    %get3A_233 = arith.constant 0 : index
    %get3A_234 = arith.constant 0 : index
    %get3A_235 = vector.load %arg4[%get3A_233, %get3A_234] : memref<1x384xf32, #tpu.memory_space<vmem>>, vector<1x384xf32>
    %get3A_236 = vector.shape_cast %get3A_235 : vector<1x384xf32> to vector<384xf32>
    %broadcast_in_dim3A_237 = vector.shape_cast %get3A_236 : vector<384xf32> to vector<1x384xf32>
    %add3A_238 = vector.broadcast %broadcast_in_dim3A_237 : vector<1x384xf32> to vector<4x384xf32>
    %add3A_239 = arith.addf %dot_general3A_232, %add3A_238 : vector<4x384xf32>
    %slice3A_240 = vector.extract_strided_slice %add3A_227 {offsets = [0, 0], sizes = [4, 128], strides = [1, 1]} : vector<4x384xf32> to vector<4x128xf32>
    %slice3A_241 = vector.extract_strided_slice %add3A_239 {offsets = [0, 0], sizes = [4, 128], strides = [1, 1]} : vector<4x384xf32> to vector<4x128xf32>
    %add3A_242 = arith.addf %slice3A_240, %slice3A_241 : vector<4x128xf32>
    %logistic3A_243 = arith.negf %add3A_242 : vector<4x128xf32>
    %logistic3A_244 = math.exp %logistic3A_243 : vector<4x128xf32>
    %logistic3A_245 = arith.constant 1.000000e+00 : f32
    %logistic3A_246 = vector.broadcast %logistic3A_245 : f32 to vector<4x128xf32>
    %logistic3A_247 = arith.addf %logistic3A_246, %logistic3A_244 : vector<4x128xf32>
    %logistic3A_248 = arith.divf %logistic3A_246, %logistic3A_247 : vector<4x128xf32>
    %slice3A_249 = vector.extract_strided_slice %add3A_227 {offsets = [0, 128], sizes = [4, 128], strides = [1, 1]} : vector<4x384xf32> to vector<4x128xf32>
    %slice3A_250 = vector.extract_strided_slice %add3A_239 {offsets = [0, 128], sizes = [4, 128], strides = [1, 1]} : vector<4x384xf32> to vector<4x128xf32>
    %add3A_251 = arith.addf %slice3A_249, %slice3A_250 : vector<4x128xf32>
    %logistic3A_252 = arith.negf %add3A_251 : vector<4x128xf32>
    %logistic3A_253 = math.exp %logistic3A_252 : vector<4x128xf32>
    %logistic3A_254 = arith.constant 1.000000e+00 : f32
    %logistic3A_255 = vector.broadcast %logistic3A_254 : f32 to vector<4x128xf32>
    %logistic3A_256 = arith.addf %logistic3A_255, %logistic3A_253 : vector<4x128xf32>
    %logistic3A_257 = arith.divf %logistic3A_255, %logistic3A_256 : vector<4x128xf32>
    %slice3A_258 = vector.extract_strided_slice %add3A_227 {offsets = [0, 256], sizes = [4, 128], strides = [1, 1]} : vector<4x384xf32> to vector<4x128xf32>
    %slice3A_259 = vector.extract_strided_slice %add3A_239 {offsets = [0, 256], sizes = [4, 128], strides = [1, 1]} : vector<4x384xf32> to vector<4x128xf32>
    %mul3A_260 = arith.mulf %logistic3A_248, %slice3A_259 : vector<4x128xf32>
    %add3A_261 = arith.addf %slice3A_258, %mul3A_260 : vector<4x128xf32>
    %tanh3A_262 = math.tanh %add3A_261 : vector<4x128xf32>
    %sub3A_263 = arith.constant 1.000000e+00 : f32
    %sub3A_264 = vector.broadcast %sub3A_263 : f32 to vector<4x128xf32>
    %sub3A_265 = arith.subf %sub3A_264, %logistic3A_257 : vector<4x128xf32>
    %mul3A_266 = arith.mulf %sub3A_265, %tanh3A_262 : vector<4x128xf32>
    %mul3A_267 = arith.mulf %logistic3A_257, %add3A_214 : vector<4x128xf32>
    %add3A_268 = arith.addf %mul3A_266, %mul3A_267 : vector<4x128xf32>
    %slice3A_269 = vector.extract_strided_slice %mul3A_3 {offsets = [20, 0], sizes = [4, 64], strides = [1, 1]} : vector<48x64xf32> to vector<4x64xf32>
    %get3A_270 = arith.constant 0 : index
    %get3A_271 = arith.constant 0 : index
    %get3A_272 = vector.load %arg1[%get3A_270, %get3A_271] : memref<64x384xf32, #tpu.memory_space<vmem>>, vector<64x384xf32>
    %dot_general3A_273 = arith.constant dense<0.000000e+00> : vector<4x384xf32>
    %dot_general3A_274 = tpu.matmul %slice3A_269, %get3A_272, %dot_general3A_273 {dimension_numbers = #tpu.dot_dimension_numbers<[1], [0], [0], [1], [0, 0, 1, 1], [], []>, transpose_lhs_hint = false} : vector<4x64xf32>, vector<64x384xf32>, vector<4x384xf32> -> vector<4x384xf32>
    %get3A_275 = arith.constant 0 : index
    %get3A_276 = arith.constant 0 : index
    %get3A_277 = vector.load %arg3[%get3A_275, %get3A_276] : memref<1x384xf32, #tpu.memory_space<vmem>>, vector<1x384xf32>
    %get3A_278 = vector.shape_cast %get3A_277 : vector<1x384xf32> to vector<384xf32>
    %broadcast_in_dim3A_279 = vector.shape_cast %get3A_278 : vector<384xf32> to vector<1x384xf32>
    %add3A_280 = vector.broadcast %broadcast_in_dim3A_279 : vector<1x384xf32> to vector<4x384xf32>
    %add3A_281 = arith.addf %dot_general3A_274, %add3A_280 : vector<4x384xf32>
    %get3A_282 = arith.constant 0 : index
    %get3A_283 = arith.constant 0 : index
    %get3A_284 = vector.load %arg2[%get3A_282, %get3A_283] : memref<128x384xf32, #tpu.memory_space<vmem>>, vector<128x384xf32>
    %dot_general3A_285 = arith.constant dense<0.000000e+00> : vector<4x384xf32>
    %dot_general3A_286 = tpu.matmul %add3A_268, %get3A_284, %dot_general3A_285 {dimension_numbers = #tpu.dot_dimension_numbers<[1], [0], [0], [1], [0, 0, 1, 1], [], []>, transpose_lhs_hint = false} : vector<4x128xf32>, vector<128x384xf32>, vector<4x384xf32> -> vector<4x384xf32>
    %get3A_287 = arith.constant 0 : index
    %get3A_288 = arith.constant 0 : index
    %get3A_289 = vector.load %arg4[%get3A_287, %get3A_288] : memref<1x384xf32, #tpu.memory_space<vmem>>, vector<1x384xf32>
    %get3A_290 = vector.shape_cast %get3A_289 : vector<1x384xf32> to vector<384xf32>
    %broadcast_in_dim3A_291 = vector.shape_cast %get3A_290 : vector<384xf32> to vector<1x384xf32>
    %add3A_292 = vector.broadcast %broadcast_in_dim3A_291 : vector<1x384xf32> to vector<4x384xf32>
    %add3A_293 = arith.addf %dot_general3A_286, %add3A_292 : vector<4x384xf32>
    %slice3A_294 = vector.extract_strided_slice %add3A_281 {offsets = [0, 0], sizes = [4, 128], strides = [1, 1]} : vector<4x384xf32> to vector<4x128xf32>
    %slice3A_295 = vector.extract_strided_slice %add3A_293 {offsets = [0, 0], sizes = [4, 128], strides = [1, 1]} : vector<4x384xf32> to vector<4x128xf32>
    %add3A_296 = arith.addf %slice3A_294, %slice3A_295 : vector<4x128xf32>
    %logistic3A_297 = arith.negf %add3A_296 : vector<4x128xf32>
    %logistic3A_298 = math.exp %logistic3A_297 : vector<4x128xf32>
    %logistic3A_299 = arith.constant 1.000000e+00 : f32
    %logistic3A_300 = vector.broadcast %logistic3A_299 : f32 to vector<4x128xf32>
    %logistic3A_301 = arith.addf %logistic3A_300, %logistic3A_298 : vector<4x128xf32>
    %logistic3A_302 = arith.divf %logistic3A_300, %logistic3A_301 : vector<4x128xf32>
    %slice3A_303 = vector.extract_strided_slice %add3A_281 {offsets = [0, 128], sizes = [4, 128], strides = [1, 1]} : vector<4x384xf32> to vector<4x128xf32>
    %slice3A_304 = vector.extract_strided_slice %add3A_293 {offsets = [0, 128], sizes = [4, 128], strides = [1, 1]} : vector<4x384xf32> to vector<4x128xf32>
    %add3A_305 = arith.addf %slice3A_303, %slice3A_304 : vector<4x128xf32>
    %logistic3A_306 = arith.negf %add3A_305 : vector<4x128xf32>
    %logistic3A_307 = math.exp %logistic3A_306 : vector<4x128xf32>
    %logistic3A_308 = arith.constant 1.000000e+00 : f32
    %logistic3A_309 = vector.broadcast %logistic3A_308 : f32 to vector<4x128xf32>
    %logistic3A_310 = arith.addf %logistic3A_309, %logistic3A_307 : vector<4x128xf32>
    %logistic3A_311 = arith.divf %logistic3A_309, %logistic3A_310 : vector<4x128xf32>
    %slice3A_312 = vector.extract_strided_slice %add3A_281 {offsets = [0, 256], sizes = [4, 128], strides = [1, 1]} : vector<4x384xf32> to vector<4x128xf32>
    %slice3A_313 = vector.extract_strided_slice %add3A_293 {offsets = [0, 256], sizes = [4, 128], strides = [1, 1]} : vector<4x384xf32> to vector<4x128xf32>
    %mul3A_314 = arith.mulf %logistic3A_302, %slice3A_313 : vector<4x128xf32>
    %add3A_315 = arith.addf %slice3A_312, %mul3A_314 : vector<4x128xf32>
    %tanh3A_316 = math.tanh %add3A_315 : vector<4x128xf32>
    %sub3A_317 = arith.constant 1.000000e+00 : f32
    %sub3A_318 = vector.broadcast %sub3A_317 : f32 to vector<4x128xf32>
    %sub3A_319 = arith.subf %sub3A_318, %logistic3A_311 : vector<4x128xf32>
    %mul3A_320 = arith.mulf %sub3A_319, %tanh3A_316 : vector<4x128xf32>
    %mul3A_321 = arith.mulf %logistic3A_311, %add3A_268 : vector<4x128xf32>
    %add3A_322 = arith.addf %mul3A_320, %mul3A_321 : vector<4x128xf32>
    %slice3A_323 = vector.extract_strided_slice %mul3A_3 {offsets = [24, 0], sizes = [4, 64], strides = [1, 1]} : vector<48x64xf32> to vector<4x64xf32>
    %get3A_324 = arith.constant 0 : index
    %get3A_325 = arith.constant 0 : index
    %get3A_326 = vector.load %arg1[%get3A_324, %get3A_325] : memref<64x384xf32, #tpu.memory_space<vmem>>, vector<64x384xf32>
    %dot_general3A_327 = arith.constant dense<0.000000e+00> : vector<4x384xf32>
    %dot_general3A_328 = tpu.matmul %slice3A_323, %get3A_326, %dot_general3A_327 {dimension_numbers = #tpu.dot_dimension_numbers<[1], [0], [0], [1], [0, 0, 1, 1], [], []>, transpose_lhs_hint = false} : vector<4x64xf32>, vector<64x384xf32>, vector<4x384xf32> -> vector<4x384xf32>
    %get3A_329 = arith.constant 0 : index
    %get3A_330 = arith.constant 0 : index
    %get3A_331 = vector.load %arg3[%get3A_329, %get3A_330] : memref<1x384xf32, #tpu.memory_space<vmem>>, vector<1x384xf32>
    %get3A_332 = vector.shape_cast %get3A_331 : vector<1x384xf32> to vector<384xf32>
    %broadcast_in_dim3A_333 = vector.shape_cast %get3A_332 : vector<384xf32> to vector<1x384xf32>
    %add3A_334 = vector.broadcast %broadcast_in_dim3A_333 : vector<1x384xf32> to vector<4x384xf32>
    %add3A_335 = arith.addf %dot_general3A_328, %add3A_334 : vector<4x384xf32>
    %get3A_336 = arith.constant 0 : index
    %get3A_337 = arith.constant 0 : index
    %get3A_338 = vector.load %arg2[%get3A_336, %get3A_337] : memref<128x384xf32, #tpu.memory_space<vmem>>, vector<128x384xf32>
    %dot_general3A_339 = arith.constant dense<0.000000e+00> : vector<4x384xf32>
    %dot_general3A_340 = tpu.matmul %add3A_322, %get3A_338, %dot_general3A_339 {dimension_numbers = #tpu.dot_dimension_numbers<[1], [0], [0], [1], [0, 0, 1, 1], [], []>, transpose_lhs_hint = false} : vector<4x128xf32>, vector<128x384xf32>, vector<4x384xf32> -> vector<4x384xf32>
    %get3A_341 = arith.constant 0 : index
    %get3A_342 = arith.constant 0 : index
    %get3A_343 = vector.load %arg4[%get3A_341, %get3A_342] : memref<1x384xf32, #tpu.memory_space<vmem>>, vector<1x384xf32>
    %get3A_344 = vector.shape_cast %get3A_343 : vector<1x384xf32> to vector<384xf32>
    %broadcast_in_dim3A_345 = vector.shape_cast %get3A_344 : vector<384xf32> to vector<1x384xf32>
    %add3A_346 = vector.broadcast %broadcast_in_dim3A_345 : vector<1x384xf32> to vector<4x384xf32>
    %add3A_347 = arith.addf %dot_general3A_340, %add3A_346 : vector<4x384xf32>
    %slice3A_348 = vector.extract_strided_slice %add3A_335 {offsets = [0, 0], sizes = [4, 128], strides = [1, 1]} : vector<4x384xf32> to vector<4x128xf32>
    %slice3A_349 = vector.extract_strided_slice %add3A_347 {offsets = [0, 0], sizes = [4, 128], strides = [1, 1]} : vector<4x384xf32> to vector<4x128xf32>
    %add3A_350 = arith.addf %slice3A_348, %slice3A_349 : vector<4x128xf32>
    %logistic3A_351 = arith.negf %add3A_350 : vector<4x128xf32>
    %logistic3A_352 = math.exp %logistic3A_351 : vector<4x128xf32>
    %logistic3A_353 = arith.constant 1.000000e+00 : f32
    %logistic3A_354 = vector.broadcast %logistic3A_353 : f32 to vector<4x128xf32>
    %logistic3A_355 = arith.addf %logistic3A_354, %logistic3A_352 : vector<4x128xf32>
    %logistic3A_356 = arith.divf %logistic3A_354, %logistic3A_355 : vector<4x128xf32>
    %slice3A_357 = vector.extract_strided_slice %add3A_335 {offsets = [0, 128], sizes = [4, 128], strides = [1, 1]} : vector<4x384xf32> to vector<4x128xf32>
    %slice3A_358 = vector.extract_strided_slice %add3A_347 {offsets = [0, 128], sizes = [4, 128], strides = [1, 1]} : vector<4x384xf32> to vector<4x128xf32>
    %add3A_359 = arith.addf %slice3A_357, %slice3A_358 : vector<4x128xf32>
    %logistic3A_360 = arith.negf %add3A_359 : vector<4x128xf32>
    %logistic3A_361 = math.exp %logistic3A_360 : vector<4x128xf32>
    %logistic3A_362 = arith.constant 1.000000e+00 : f32
    %logistic3A_363 = vector.broadcast %logistic3A_362 : f32 to vector<4x128xf32>
    %logistic3A_364 = arith.addf %logistic3A_363, %logistic3A_361 : vector<4x128xf32>
    %logistic3A_365 = arith.divf %logistic3A_363, %logistic3A_364 : vector<4x128xf32>
    %slice3A_366 = vector.extract_strided_slice %add3A_335 {offsets = [0, 256], sizes = [4, 128], strides = [1, 1]} : vector<4x384xf32> to vector<4x128xf32>
    %slice3A_367 = vector.extract_strided_slice %add3A_347 {offsets = [0, 256], sizes = [4, 128], strides = [1, 1]} : vector<4x384xf32> to vector<4x128xf32>
    %mul3A_368 = arith.mulf %logistic3A_356, %slice3A_367 : vector<4x128xf32>
    %add3A_369 = arith.addf %slice3A_366, %mul3A_368 : vector<4x128xf32>
    %tanh3A_370 = math.tanh %add3A_369 : vector<4x128xf32>
    %sub3A_371 = arith.constant 1.000000e+00 : f32
    %sub3A_372 = vector.broadcast %sub3A_371 : f32 to vector<4x128xf32>
    %sub3A_373 = arith.subf %sub3A_372, %logistic3A_365 : vector<4x128xf32>
    %mul3A_374 = arith.mulf %sub3A_373, %tanh3A_370 : vector<4x128xf32>
    %mul3A_375 = arith.mulf %logistic3A_365, %add3A_322 : vector<4x128xf32>
    %add3A_376 = arith.addf %mul3A_374, %mul3A_375 : vector<4x128xf32>
    %slice3A_377 = vector.extract_strided_slice %mul3A_3 {offsets = [28, 0], sizes = [4, 64], strides = [1, 1]} : vector<48x64xf32> to vector<4x64xf32>
    %get3A_378 = arith.constant 0 : index
    %get3A_379 = arith.constant 0 : index
    %get3A_380 = vector.load %arg1[%get3A_378, %get3A_379] : memref<64x384xf32, #tpu.memory_space<vmem>>, vector<64x384xf32>
    %dot_general3A_381 = arith.constant dense<0.000000e+00> : vector<4x384xf32>
    %dot_general3A_382 = tpu.matmul %slice3A_377, %get3A_380, %dot_general3A_381 {dimension_numbers = #tpu.dot_dimension_numbers<[1], [0], [0], [1], [0, 0, 1, 1], [], []>, transpose_lhs_hint = false} : vector<4x64xf32>, vector<64x384xf32>, vector<4x384xf32> -> vector<4x384xf32>
    %get3A_383 = arith.constant 0 : index
    %get3A_384 = arith.constant 0 : index
    %get3A_385 = vector.load %arg3[%get3A_383, %get3A_384] : memref<1x384xf32, #tpu.memory_space<vmem>>, vector<1x384xf32>
    %get3A_386 = vector.shape_cast %get3A_385 : vector<1x384xf32> to vector<384xf32>
    %broadcast_in_dim3A_387 = vector.shape_cast %get3A_386 : vector<384xf32> to vector<1x384xf32>
    %add3A_388 = vector.broadcast %broadcast_in_dim3A_387 : vector<1x384xf32> to vector<4x384xf32>
    %add3A_389 = arith.addf %dot_general3A_382, %add3A_388 : vector<4x384xf32>
    %get3A_390 = arith.constant 0 : index
    %get3A_391 = arith.constant 0 : index
    %get3A_392 = vector.load %arg2[%get3A_390, %get3A_391] : memref<128x384xf32, #tpu.memory_space<vmem>>, vector<128x384xf32>
    %dot_general3A_393 = arith.constant dense<0.000000e+00> : vector<4x384xf32>
    %dot_general3A_394 = tpu.matmul %add3A_376, %get3A_392, %dot_general3A_393 {dimension_numbers = #tpu.dot_dimension_numbers<[1], [0], [0], [1], [0, 0, 1, 1], [], []>, transpose_lhs_hint = false} : vector<4x128xf32>, vector<128x384xf32>, vector<4x384xf32> -> vector<4x384xf32>
    %get3A_395 = arith.constant 0 : index
    %get3A_396 = arith.constant 0 : index
    %get3A_397 = vector.load %arg4[%get3A_395, %get3A_396] : memref<1x384xf32, #tpu.memory_space<vmem>>, vector<1x384xf32>
    %get3A_398 = vector.shape_cast %get3A_397 : vector<1x384xf32> to vector<384xf32>
    %broadcast_in_dim3A_399 = vector.shape_cast %get3A_398 : vector<384xf32> to vector<1x384xf32>
    %add3A_400 = vector.broadcast %broadcast_in_dim3A_399 : vector<1x384xf32> to vector<4x384xf32>
    %add3A_401 = arith.addf %dot_general3A_394, %add3A_400 : vector<4x384xf32>
    %slice3A_402 = vector.extract_strided_slice %add3A_389 {offsets = [0, 0], sizes = [4, 128], strides = [1, 1]} : vector<4x384xf32> to vector<4x128xf32>
    %slice3A_403 = vector.extract_strided_slice %add3A_401 {offsets = [0, 0], sizes = [4, 128], strides = [1, 1]} : vector<4x384xf32> to vector<4x128xf32>
    %add3A_404 = arith.addf %slice3A_402, %slice3A_403 : vector<4x128xf32>
    %logistic3A_405 = arith.negf %add3A_404 : vector<4x128xf32>
    %logistic3A_406 = math.exp %logistic3A_405 : vector<4x128xf32>
    %logistic3A_407 = arith.constant 1.000000e+00 : f32
    %logistic3A_408 = vector.broadcast %logistic3A_407 : f32 to vector<4x128xf32>
    %logistic3A_409 = arith.addf %logistic3A_408, %logistic3A_406 : vector<4x128xf32>
    %logistic3A_410 = arith.divf %logistic3A_408, %logistic3A_409 : vector<4x128xf32>
    %slice3A_411 = vector.extract_strided_slice %add3A_389 {offsets = [0, 128], sizes = [4, 128], strides = [1, 1]} : vector<4x384xf32> to vector<4x128xf32>
    %slice3A_412 = vector.extract_strided_slice %add3A_401 {offsets = [0, 128], sizes = [4, 128], strides = [1, 1]} : vector<4x384xf32> to vector<4x128xf32>
    %add3A_413 = arith.addf %slice3A_411, %slice3A_412 : vector<4x128xf32>
    %logistic3A_414 = arith.negf %add3A_413 : vector<4x128xf32>
    %logistic3A_415 = math.exp %logistic3A_414 : vector<4x128xf32>
    %logistic3A_416 = arith.constant 1.000000e+00 : f32
    %logistic3A_417 = vector.broadcast %logistic3A_416 : f32 to vector<4x128xf32>
    %logistic3A_418 = arith.addf %logistic3A_417, %logistic3A_415 : vector<4x128xf32>
    %logistic3A_419 = arith.divf %logistic3A_417, %logistic3A_418 : vector<4x128xf32>
    %slice3A_420 = vector.extract_strided_slice %add3A_389 {offsets = [0, 256], sizes = [4, 128], strides = [1, 1]} : vector<4x384xf32> to vector<4x128xf32>
    %slice3A_421 = vector.extract_strided_slice %add3A_401 {offsets = [0, 256], sizes = [4, 128], strides = [1, 1]} : vector<4x384xf32> to vector<4x128xf32>
    %mul3A_422 = arith.mulf %logistic3A_410, %slice3A_421 : vector<4x128xf32>
    %add3A_423 = arith.addf %slice3A_420, %mul3A_422 : vector<4x128xf32>
    %tanh3A_424 = math.tanh %add3A_423 : vector<4x128xf32>
    %sub3A_425 = arith.constant 1.000000e+00 : f32
    %sub3A_426 = vector.broadcast %sub3A_425 : f32 to vector<4x128xf32>
    %sub3A_427 = arith.subf %sub3A_426, %logistic3A_419 : vector<4x128xf32>
    %mul3A_428 = arith.mulf %sub3A_427, %tanh3A_424 : vector<4x128xf32>
    %mul3A_429 = arith.mulf %logistic3A_419, %add3A_376 : vector<4x128xf32>
    %add3A_430 = arith.addf %mul3A_428, %mul3A_429 : vector<4x128xf32>
    %slice3A_431 = vector.extract_strided_slice %mul3A_3 {offsets = [32, 0], sizes = [4, 64], strides = [1, 1]} : vector<48x64xf32> to vector<4x64xf32>
    %get3A_432 = arith.constant 0 : index
    %get3A_433 = arith.constant 0 : index
    %get3A_434 = vector.load %arg1[%get3A_432, %get3A_433] : memref<64x384xf32, #tpu.memory_space<vmem>>, vector<64x384xf32>
    %dot_general3A_435 = arith.constant dense<0.000000e+00> : vector<4x384xf32>
    %dot_general3A_436 = tpu.matmul %slice3A_431, %get3A_434, %dot_general3A_435 {dimension_numbers = #tpu.dot_dimension_numbers<[1], [0], [0], [1], [0, 0, 1, 1], [], []>, transpose_lhs_hint = false} : vector<4x64xf32>, vector<64x384xf32>, vector<4x384xf32> -> vector<4x384xf32>
    %get3A_437 = arith.constant 0 : index
    %get3A_438 = arith.constant 0 : index
    %get3A_439 = vector.load %arg3[%get3A_437, %get3A_438] : memref<1x384xf32, #tpu.memory_space<vmem>>, vector<1x384xf32>
    %get3A_440 = vector.shape_cast %get3A_439 : vector<1x384xf32> to vector<384xf32>
    %broadcast_in_dim3A_441 = vector.shape_cast %get3A_440 : vector<384xf32> to vector<1x384xf32>
    %add3A_442 = vector.broadcast %broadcast_in_dim3A_441 : vector<1x384xf32> to vector<4x384xf32>
    %add3A_443 = arith.addf %dot_general3A_436, %add3A_442 : vector<4x384xf32>
    %get3A_444 = arith.constant 0 : index
    %get3A_445 = arith.constant 0 : index
    %get3A_446 = vector.load %arg2[%get3A_444, %get3A_445] : memref<128x384xf32, #tpu.memory_space<vmem>>, vector<128x384xf32>
    %dot_general3A_447 = arith.constant dense<0.000000e+00> : vector<4x384xf32>
    %dot_general3A_448 = tpu.matmul %add3A_430, %get3A_446, %dot_general3A_447 {dimension_numbers = #tpu.dot_dimension_numbers<[1], [0], [0], [1], [0, 0, 1, 1], [], []>, transpose_lhs_hint = false} : vector<4x128xf32>, vector<128x384xf32>, vector<4x384xf32> -> vector<4x384xf32>
    %get3A_449 = arith.constant 0 : index
    %get3A_450 = arith.constant 0 : index
    %get3A_451 = vector.load %arg4[%get3A_449, %get3A_450] : memref<1x384xf32, #tpu.memory_space<vmem>>, vector<1x384xf32>
    %get3A_452 = vector.shape_cast %get3A_451 : vector<1x384xf32> to vector<384xf32>
    %broadcast_in_dim3A_453 = vector.shape_cast %get3A_452 : vector<384xf32> to vector<1x384xf32>
    %add3A_454 = vector.broadcast %broadcast_in_dim3A_453 : vector<1x384xf32> to vector<4x384xf32>
    %add3A_455 = arith.addf %dot_general3A_448, %add3A_454 : vector<4x384xf32>
    %slice3A_456 = vector.extract_strided_slice %add3A_443 {offsets = [0, 0], sizes = [4, 128], strides = [1, 1]} : vector<4x384xf32> to vector<4x128xf32>
    %slice3A_457 = vector.extract_strided_slice %add3A_455 {offsets = [0, 0], sizes = [4, 128], strides = [1, 1]} : vector<4x384xf32> to vector<4x128xf32>
    %add3A_458 = arith.addf %slice3A_456, %slice3A_457 : vector<4x128xf32>
    %logistic3A_459 = arith.negf %add3A_458 : vector<4x128xf32>
    %logistic3A_460 = math.exp %logistic3A_459 : vector<4x128xf32>
    %logistic3A_461 = arith.constant 1.000000e+00 : f32
    %logistic3A_462 = vector.broadcast %logistic3A_461 : f32 to vector<4x128xf32>
    %logistic3A_463 = arith.addf %logistic3A_462, %logistic3A_460 : vector<4x128xf32>
    %logistic3A_464 = arith.divf %logistic3A_462, %logistic3A_463 : vector<4x128xf32>
    %slice3A_465 = vector.extract_strided_slice %add3A_443 {offsets = [0, 128], sizes = [4, 128], strides = [1, 1]} : vector<4x384xf32> to vector<4x128xf32>
    %slice3A_466 = vector.extract_strided_slice %add3A_455 {offsets = [0, 128], sizes = [4, 128], strides = [1, 1]} : vector<4x384xf32> to vector<4x128xf32>
    %add3A_467 = arith.addf %slice3A_465, %slice3A_466 : vector<4x128xf32>
    %logistic3A_468 = arith.negf %add3A_467 : vector<4x128xf32>
    %logistic3A_469 = math.exp %logistic3A_468 : vector<4x128xf32>
    %logistic3A_470 = arith.constant 1.000000e+00 : f32
    %logistic3A_471 = vector.broadcast %logistic3A_470 : f32 to vector<4x128xf32>
    %logistic3A_472 = arith.addf %logistic3A_471, %logistic3A_469 : vector<4x128xf32>
    %logistic3A_473 = arith.divf %logistic3A_471, %logistic3A_472 : vector<4x128xf32>
    %slice3A_474 = vector.extract_strided_slice %add3A_443 {offsets = [0, 256], sizes = [4, 128], strides = [1, 1]} : vector<4x384xf32> to vector<4x128xf32>
    %slice3A_475 = vector.extract_strided_slice %add3A_455 {offsets = [0, 256], sizes = [4, 128], strides = [1, 1]} : vector<4x384xf32> to vector<4x128xf32>
    %mul3A_476 = arith.mulf %logistic3A_464, %slice3A_475 : vector<4x128xf32>
    %add3A_477 = arith.addf %slice3A_474, %mul3A_476 : vector<4x128xf32>
    %tanh3A_478 = math.tanh %add3A_477 : vector<4x128xf32>
    %sub3A_479 = arith.constant 1.000000e+00 : f32
    %sub3A_480 = vector.broadcast %sub3A_479 : f32 to vector<4x128xf32>
    %sub3A_481 = arith.subf %sub3A_480, %logistic3A_473 : vector<4x128xf32>
    %mul3A_482 = arith.mulf %sub3A_481, %tanh3A_478 : vector<4x128xf32>
    %mul3A_483 = arith.mulf %logistic3A_473, %add3A_430 : vector<4x128xf32>
    %add3A_484 = arith.addf %mul3A_482, %mul3A_483 : vector<4x128xf32>
    %slice3A_485 = vector.extract_strided_slice %mul3A_3 {offsets = [36, 0], sizes = [4, 64], strides = [1, 1]} : vector<48x64xf32> to vector<4x64xf32>
    %get3A_486 = arith.constant 0 : index
    %get3A_487 = arith.constant 0 : index
    %get3A_488 = vector.load %arg1[%get3A_486, %get3A_487] : memref<64x384xf32, #tpu.memory_space<vmem>>, vector<64x384xf32>
    %dot_general3A_489 = arith.constant dense<0.000000e+00> : vector<4x384xf32>
    %dot_general3A_490 = tpu.matmul %slice3A_485, %get3A_488, %dot_general3A_489 {dimension_numbers = #tpu.dot_dimension_numbers<[1], [0], [0], [1], [0, 0, 1, 1], [], []>, transpose_lhs_hint = false} : vector<4x64xf32>, vector<64x384xf32>, vector<4x384xf32> -> vector<4x384xf32>
    %get3A_491 = arith.constant 0 : index
    %get3A_492 = arith.constant 0 : index
    %get3A_493 = vector.load %arg3[%get3A_491, %get3A_492] : memref<1x384xf32, #tpu.memory_space<vmem>>, vector<1x384xf32>
    %get3A_494 = vector.shape_cast %get3A_493 : vector<1x384xf32> to vector<384xf32>
    %broadcast_in_dim3A_495 = vector.shape_cast %get3A_494 : vector<384xf32> to vector<1x384xf32>
    %add3A_496 = vector.broadcast %broadcast_in_dim3A_495 : vector<1x384xf32> to vector<4x384xf32>
    %add3A_497 = arith.addf %dot_general3A_490, %add3A_496 : vector<4x384xf32>
    %get3A_498 = arith.constant 0 : index
    %get3A_499 = arith.constant 0 : index
    %get3A_500 = vector.load %arg2[%get3A_498, %get3A_499] : memref<128x384xf32, #tpu.memory_space<vmem>>, vector<128x384xf32>
    %dot_general3A_501 = arith.constant dense<0.000000e+00> : vector<4x384xf32>
    %dot_general3A_502 = tpu.matmul %add3A_484, %get3A_500, %dot_general3A_501 {dimension_numbers = #tpu.dot_dimension_numbers<[1], [0], [0], [1], [0, 0, 1, 1], [], []>, transpose_lhs_hint = false} : vector<4x128xf32>, vector<128x384xf32>, vector<4x384xf32> -> vector<4x384xf32>
    %get3A_503 = arith.constant 0 : index
    %get3A_504 = arith.constant 0 : index
    %get3A_505 = vector.load %arg4[%get3A_503, %get3A_504] : memref<1x384xf32, #tpu.memory_space<vmem>>, vector<1x384xf32>
    %get3A_506 = vector.shape_cast %get3A_505 : vector<1x384xf32> to vector<384xf32>
    %broadcast_in_dim3A_507 = vector.shape_cast %get3A_506 : vector<384xf32> to vector<1x384xf32>
    %add3A_508 = vector.broadcast %broadcast_in_dim3A_507 : vector<1x384xf32> to vector<4x384xf32>
    %add3A_509 = arith.addf %dot_general3A_502, %add3A_508 : vector<4x384xf32>
    %slice3A_510 = vector.extract_strided_slice %add3A_497 {offsets = [0, 0], sizes = [4, 128], strides = [1, 1]} : vector<4x384xf32> to vector<4x128xf32>
    %slice3A_511 = vector.extract_strided_slice %add3A_509 {offsets = [0, 0], sizes = [4, 128], strides = [1, 1]} : vector<4x384xf32> to vector<4x128xf32>
    %add3A_512 = arith.addf %slice3A_510, %slice3A_511 : vector<4x128xf32>
    %logistic3A_513 = arith.negf %add3A_512 : vector<4x128xf32>
    %logistic3A_514 = math.exp %logistic3A_513 : vector<4x128xf32>
    %logistic3A_515 = arith.constant 1.000000e+00 : f32
    %logistic3A_516 = vector.broadcast %logistic3A_515 : f32 to vector<4x128xf32>
    %logistic3A_517 = arith.addf %logistic3A_516, %logistic3A_514 : vector<4x128xf32>
    %logistic3A_518 = arith.divf %logistic3A_516, %logistic3A_517 : vector<4x128xf32>
    %slice3A_519 = vector.extract_strided_slice %add3A_497 {offsets = [0, 128], sizes = [4, 128], strides = [1, 1]} : vector<4x384xf32> to vector<4x128xf32>
    %slice3A_520 = vector.extract_strided_slice %add3A_509 {offsets = [0, 128], sizes = [4, 128], strides = [1, 1]} : vector<4x384xf32> to vector<4x128xf32>
    %add3A_521 = arith.addf %slice3A_519, %slice3A_520 : vector<4x128xf32>
    %logistic3A_522 = arith.negf %add3A_521 : vector<4x128xf32>
    %logistic3A_523 = math.exp %logistic3A_522 : vector<4x128xf32>
    %logistic3A_524 = arith.constant 1.000000e+00 : f32
    %logistic3A_525 = vector.broadcast %logistic3A_524 : f32 to vector<4x128xf32>
    %logistic3A_526 = arith.addf %logistic3A_525, %logistic3A_523 : vector<4x128xf32>
    %logistic3A_527 = arith.divf %logistic3A_525, %logistic3A_526 : vector<4x128xf32>
    %slice3A_528 = vector.extract_strided_slice %add3A_497 {offsets = [0, 256], sizes = [4, 128], strides = [1, 1]} : vector<4x384xf32> to vector<4x128xf32>
    %slice3A_529 = vector.extract_strided_slice %add3A_509 {offsets = [0, 256], sizes = [4, 128], strides = [1, 1]} : vector<4x384xf32> to vector<4x128xf32>
    %mul3A_530 = arith.mulf %logistic3A_518, %slice3A_529 : vector<4x128xf32>
    %add3A_531 = arith.addf %slice3A_528, %mul3A_530 : vector<4x128xf32>
    %tanh3A_532 = math.tanh %add3A_531 : vector<4x128xf32>
    %sub3A_533 = arith.constant 1.000000e+00 : f32
    %sub3A_534 = vector.broadcast %sub3A_533 : f32 to vector<4x128xf32>
    %sub3A_535 = arith.subf %sub3A_534, %logistic3A_527 : vector<4x128xf32>
    %mul3A_536 = arith.mulf %sub3A_535, %tanh3A_532 : vector<4x128xf32>
    %mul3A_537 = arith.mulf %logistic3A_527, %add3A_484 : vector<4x128xf32>
    %add3A_538 = arith.addf %mul3A_536, %mul3A_537 : vector<4x128xf32>
    %slice3A_539 = vector.extract_strided_slice %mul3A_3 {offsets = [40, 0], sizes = [4, 64], strides = [1, 1]} : vector<48x64xf32> to vector<4x64xf32>
    %get3A_540 = arith.constant 0 : index
    %get3A_541 = arith.constant 0 : index
    %get3A_542 = vector.load %arg1[%get3A_540, %get3A_541] : memref<64x384xf32, #tpu.memory_space<vmem>>, vector<64x384xf32>
    %dot_general3A_543 = arith.constant dense<0.000000e+00> : vector<4x384xf32>
    %dot_general3A_544 = tpu.matmul %slice3A_539, %get3A_542, %dot_general3A_543 {dimension_numbers = #tpu.dot_dimension_numbers<[1], [0], [0], [1], [0, 0, 1, 1], [], []>, transpose_lhs_hint = false} : vector<4x64xf32>, vector<64x384xf32>, vector<4x384xf32> -> vector<4x384xf32>
    %get3A_545 = arith.constant 0 : index
    %get3A_546 = arith.constant 0 : index
    %get3A_547 = vector.load %arg3[%get3A_545, %get3A_546] : memref<1x384xf32, #tpu.memory_space<vmem>>, vector<1x384xf32>
    %get3A_548 = vector.shape_cast %get3A_547 : vector<1x384xf32> to vector<384xf32>
    %broadcast_in_dim3A_549 = vector.shape_cast %get3A_548 : vector<384xf32> to vector<1x384xf32>
    %add3A_550 = vector.broadcast %broadcast_in_dim3A_549 : vector<1x384xf32> to vector<4x384xf32>
    %add3A_551 = arith.addf %dot_general3A_544, %add3A_550 : vector<4x384xf32>
    %get3A_552 = arith.constant 0 : index
    %get3A_553 = arith.constant 0 : index
    %get3A_554 = vector.load %arg2[%get3A_552, %get3A_553] : memref<128x384xf32, #tpu.memory_space<vmem>>, vector<128x384xf32>
    %dot_general3A_555 = arith.constant dense<0.000000e+00> : vector<4x384xf32>
    %dot_general3A_556 = tpu.matmul %add3A_538, %get3A_554, %dot_general3A_555 {dimension_numbers = #tpu.dot_dimension_numbers<[1], [0], [0], [1], [0, 0, 1, 1], [], []>, transpose_lhs_hint = false} : vector<4x128xf32>, vector<128x384xf32>, vector<4x384xf32> -> vector<4x384xf32>
    %get3A_557 = arith.constant 0 : index
    %get3A_558 = arith.constant 0 : index
    %get3A_559 = vector.load %arg4[%get3A_557, %get3A_558] : memref<1x384xf32, #tpu.memory_space<vmem>>, vector<1x384xf32>
    %get3A_560 = vector.shape_cast %get3A_559 : vector<1x384xf32> to vector<384xf32>
    %broadcast_in_dim3A_561 = vector.shape_cast %get3A_560 : vector<384xf32> to vector<1x384xf32>
    %add3A_562 = vector.broadcast %broadcast_in_dim3A_561 : vector<1x384xf32> to vector<4x384xf32>
    %add3A_563 = arith.addf %dot_general3A_556, %add3A_562 : vector<4x384xf32>
    %slice3A_564 = vector.extract_strided_slice %add3A_551 {offsets = [0, 0], sizes = [4, 128], strides = [1, 1]} : vector<4x384xf32> to vector<4x128xf32>
    %slice3A_565 = vector.extract_strided_slice %add3A_563 {offsets = [0, 0], sizes = [4, 128], strides = [1, 1]} : vector<4x384xf32> to vector<4x128xf32>
    %add3A_566 = arith.addf %slice3A_564, %slice3A_565 : vector<4x128xf32>
    %logistic3A_567 = arith.negf %add3A_566 : vector<4x128xf32>
    %logistic3A_568 = math.exp %logistic3A_567 : vector<4x128xf32>
    %logistic3A_569 = arith.constant 1.000000e+00 : f32
    %logistic3A_570 = vector.broadcast %logistic3A_569 : f32 to vector<4x128xf32>
    %logistic3A_571 = arith.addf %logistic3A_570, %logistic3A_568 : vector<4x128xf32>
    %logistic3A_572 = arith.divf %logistic3A_570, %logistic3A_571 : vector<4x128xf32>
    %slice3A_573 = vector.extract_strided_slice %add3A_551 {offsets = [0, 128], sizes = [4, 128], strides = [1, 1]} : vector<4x384xf32> to vector<4x128xf32>
    %slice3A_574 = vector.extract_strided_slice %add3A_563 {offsets = [0, 128], sizes = [4, 128], strides = [1, 1]} : vector<4x384xf32> to vector<4x128xf32>
    %add3A_575 = arith.addf %slice3A_573, %slice3A_574 : vector<4x128xf32>
    %logistic3A_576 = arith.negf %add3A_575 : vector<4x128xf32>
    %logistic3A_577 = math.exp %logistic3A_576 : vector<4x128xf32>
    %logistic3A_578 = arith.constant 1.000000e+00 : f32
    %logistic3A_579 = vector.broadcast %logistic3A_578 : f32 to vector<4x128xf32>
    %logistic3A_580 = arith.addf %logistic3A_579, %logistic3A_577 : vector<4x128xf32>
    %logistic3A_581 = arith.divf %logistic3A_579, %logistic3A_580 : vector<4x128xf32>
    %slice3A_582 = vector.extract_strided_slice %add3A_551 {offsets = [0, 256], sizes = [4, 128], strides = [1, 1]} : vector<4x384xf32> to vector<4x128xf32>
    %slice3A_583 = vector.extract_strided_slice %add3A_563 {offsets = [0, 256], sizes = [4, 128], strides = [1, 1]} : vector<4x384xf32> to vector<4x128xf32>
    %mul3A_584 = arith.mulf %logistic3A_572, %slice3A_583 : vector<4x128xf32>
    %add3A_585 = arith.addf %slice3A_582, %mul3A_584 : vector<4x128xf32>
    %tanh3A_586 = math.tanh %add3A_585 : vector<4x128xf32>
    %sub3A_587 = arith.constant 1.000000e+00 : f32
    %sub3A_588 = vector.broadcast %sub3A_587 : f32 to vector<4x128xf32>
    %sub3A_589 = arith.subf %sub3A_588, %logistic3A_581 : vector<4x128xf32>
    %mul3A_590 = arith.mulf %sub3A_589, %tanh3A_586 : vector<4x128xf32>
    %mul3A_591 = arith.mulf %logistic3A_581, %add3A_538 : vector<4x128xf32>
    %add3A_592 = arith.addf %mul3A_590, %mul3A_591 : vector<4x128xf32>
    %slice3A_593 = vector.extract_strided_slice %mul3A_3 {offsets = [44, 0], sizes = [4, 64], strides = [1, 1]} : vector<48x64xf32> to vector<4x64xf32>
    %get3A_594 = arith.constant 0 : index
    %get3A_595 = arith.constant 0 : index
    %get3A_596 = vector.load %arg1[%get3A_594, %get3A_595] : memref<64x384xf32, #tpu.memory_space<vmem>>, vector<64x384xf32>
    %dot_general3A_597 = arith.constant dense<0.000000e+00> : vector<4x384xf32>
    %dot_general3A_598 = tpu.matmul %slice3A_593, %get3A_596, %dot_general3A_597 {dimension_numbers = #tpu.dot_dimension_numbers<[1], [0], [0], [1], [0, 0, 1, 1], [], []>, transpose_lhs_hint = false} : vector<4x64xf32>, vector<64x384xf32>, vector<4x384xf32> -> vector<4x384xf32>
    %get3A_599 = arith.constant 0 : index
    %get3A_600 = arith.constant 0 : index
    %get3A_601 = vector.load %arg3[%get3A_599, %get3A_600] : memref<1x384xf32, #tpu.memory_space<vmem>>, vector<1x384xf32>
    %get3A_602 = vector.shape_cast %get3A_601 : vector<1x384xf32> to vector<384xf32>
    %broadcast_in_dim3A_603 = vector.shape_cast %get3A_602 : vector<384xf32> to vector<1x384xf32>
    %add3A_604 = vector.broadcast %broadcast_in_dim3A_603 : vector<1x384xf32> to vector<4x384xf32>
    %add3A_605 = arith.addf %dot_general3A_598, %add3A_604 : vector<4x384xf32>
    %get3A_606 = arith.constant 0 : index
    %get3A_607 = arith.constant 0 : index
    %get3A_608 = vector.load %arg2[%get3A_606, %get3A_607] : memref<128x384xf32, #tpu.memory_space<vmem>>, vector<128x384xf32>
    %dot_general3A_609 = arith.constant dense<0.000000e+00> : vector<4x384xf32>
    %dot_general3A_610 = tpu.matmul %add3A_592, %get3A_608, %dot_general3A_609 {dimension_numbers = #tpu.dot_dimension_numbers<[1], [0], [0], [1], [0, 0, 1, 1], [], []>, transpose_lhs_hint = false} : vector<4x128xf32>, vector<128x384xf32>, vector<4x384xf32> -> vector<4x384xf32>
    %get3A_611 = arith.constant 0 : index
    %get3A_612 = arith.constant 0 : index
    %get3A_613 = vector.load %arg4[%get3A_611, %get3A_612] : memref<1x384xf32, #tpu.memory_space<vmem>>, vector<1x384xf32>
    %get3A_614 = vector.shape_cast %get3A_613 : vector<1x384xf32> to vector<384xf32>
    %broadcast_in_dim3A_615 = vector.shape_cast %get3A_614 : vector<384xf32> to vector<1x384xf32>
    %add3A_616 = vector.broadcast %broadcast_in_dim3A_615 : vector<1x384xf32> to vector<4x384xf32>
    %add3A_617 = arith.addf %dot_general3A_610, %add3A_616 : vector<4x384xf32>
    %slice3A_618 = vector.extract_strided_slice %add3A_605 {offsets = [0, 0], sizes = [4, 128], strides = [1, 1]} : vector<4x384xf32> to vector<4x128xf32>
    %slice3A_619 = vector.extract_strided_slice %add3A_617 {offsets = [0, 0], sizes = [4, 128], strides = [1, 1]} : vector<4x384xf32> to vector<4x128xf32>
    %add3A_620 = arith.addf %slice3A_618, %slice3A_619 : vector<4x128xf32>
    %logistic3A_621 = arith.negf %add3A_620 : vector<4x128xf32>
    %logistic3A_622 = math.exp %logistic3A_621 : vector<4x128xf32>
    %logistic3A_623 = arith.constant 1.000000e+00 : f32
    %logistic3A_624 = vector.broadcast %logistic3A_623 : f32 to vector<4x128xf32>
    %logistic3A_625 = arith.addf %logistic3A_624, %logistic3A_622 : vector<4x128xf32>
    %logistic3A_626 = arith.divf %logistic3A_624, %logistic3A_625 : vector<4x128xf32>
    %slice3A_627 = vector.extract_strided_slice %add3A_605 {offsets = [0, 128], sizes = [4, 128], strides = [1, 1]} : vector<4x384xf32> to vector<4x128xf32>
    %slice3A_628 = vector.extract_strided_slice %add3A_617 {offsets = [0, 128], sizes = [4, 128], strides = [1, 1]} : vector<4x384xf32> to vector<4x128xf32>
    %add3A_629 = arith.addf %slice3A_627, %slice3A_628 : vector<4x128xf32>
    %logistic3A_630 = arith.negf %add3A_629 : vector<4x128xf32>
    %logistic3A_631 = math.exp %logistic3A_630 : vector<4x128xf32>
    %logistic3A_632 = arith.constant 1.000000e+00 : f32
    %logistic3A_633 = vector.broadcast %logistic3A_632 : f32 to vector<4x128xf32>
    %logistic3A_634 = arith.addf %logistic3A_633, %logistic3A_631 : vector<4x128xf32>
    %logistic3A_635 = arith.divf %logistic3A_633, %logistic3A_634 : vector<4x128xf32>
    %slice3A_636 = vector.extract_strided_slice %add3A_605 {offsets = [0, 256], sizes = [4, 128], strides = [1, 1]} : vector<4x384xf32> to vector<4x128xf32>
    %slice3A_637 = vector.extract_strided_slice %add3A_617 {offsets = [0, 256], sizes = [4, 128], strides = [1, 1]} : vector<4x384xf32> to vector<4x128xf32>
    %mul3A_638 = arith.mulf %logistic3A_626, %slice3A_637 : vector<4x128xf32>
    %add3A_639 = arith.addf %slice3A_636, %mul3A_638 : vector<4x128xf32>
    %tanh3A_640 = math.tanh %add3A_639 : vector<4x128xf32>
    %sub3A_641 = arith.constant 1.000000e+00 : f32
    %sub3A_642 = vector.broadcast %sub3A_641 : f32 to vector<4x128xf32>
    %sub3A_643 = arith.subf %sub3A_642, %logistic3A_635 : vector<4x128xf32>
    %mul3A_644 = arith.mulf %sub3A_643, %tanh3A_640 : vector<4x128xf32>
    %mul3A_645 = arith.mulf %logistic3A_635, %add3A_592 : vector<4x128xf32>
    %add3A_646 = arith.addf %mul3A_644, %mul3A_645 : vector<4x128xf32>
    %convert_element_type3A = arith.truncf %add3A_646 : vector<4x128xf32> to vector<4x128xbf16>
    %convert_element_type3A_647 = arith.extf %convert_element_type3A : vector<4x128xbf16> to vector<4x128xf32>
    %get3A_648 = arith.constant 0 : index
    %get3A_649 = arith.constant 0 : index
    %get3A_650 = vector.load %arg5[%get3A_648, %get3A_649] : memref<1x128xf32, #tpu.memory_space<vmem>>, vector<1x128xf32>
    %convert_element_type3A_651 = arith.truncf %get3A_650 : vector<1x128xf32> to vector<1x128xbf16>
    %convert_element_type3A_652 = arith.extf %convert_element_type3A_651 : vector<1x128xbf16> to vector<1x128xf32>
    %mul3A_653 = vector.broadcast %convert_element_type3A_652 : vector<1x128xf32> to vector<4x128xf32>
    %mul3A_654 = arith.mulf %convert_element_type3A_647, %mul3A_653 : vector<4x128xf32>
    %reduce_sum3A = arith.constant dense<0.000000e+00> : vector<4xf32>
    %reduce_sum3A_655 = vector.multi_reduction <add>, %mul3A_654, %reduce_sum3A [1] : vector<4x128xf32> to vector<4xf32>
    %broadcast_in_dim3A_656 = vector.shape_cast %reduce_sum3A_655 : vector<4xf32> to vector<4x1xf32>
    %get3A_657 = arith.constant 0 : index
    %get3A_658 = arith.constant 0 : index
    %get3A_659 = vector.load %arg6[%get3A_657, %get3A_658] : memref<1x1xf32, #tpu.memory_space<vmem>>, vector<1x1xf32>
    %get3A_660 = vector.shape_cast %get3A_659 : vector<1x1xf32> to vector<1xf32>
    %broadcast_in_dim3A_661 = vector.shape_cast %get3A_660 : vector<1xf32> to vector<1x1xf32>
    %add3A_662 = vector.broadcast %broadcast_in_dim3A_661 : vector<1x1xf32> to vector<4x1xf32>
    %add3A_663 = arith.addf %broadcast_in_dim3A_656, %add3A_662 : vector<4x1xf32>
    %broadcast_in_dim3A_664 = vector.shape_cast %add3A_663 : vector<4x1xf32> to vector<4x1xf32>
    %broadcast_in_dim3A_665 = vector.broadcast %broadcast_in_dim3A_664 : vector<4x1xf32> to vector<4x128xf32>
    %swap3A = arith.constant 0 : index
    %swap3A_666 = arith.constant 0 : index
    %swap3A_667 = vector.load %arg7[%swap3A, %swap3A_666] : memref<4x128xf32, #tpu.memory_space<vmem>>, vector<4x128xf32>
    tpu.vector_store %arg7[%swap3A, %swap3A_666], %broadcast_in_dim3A_665 {strides = array<i32>} : memref<4x128xf32, #tpu.memory_space<vmem>>, vector<4x128xf32>,
    return
  }
}

</mosaic_0001>

<sc_bundles>
// kernel: kernel.10.cloned.1.call-start
scs
__scs_entry_jumppad:
0x0: {  	(pc) =	sbr.rel $0x88, $3  }
0x1: {  	(tag) =	ssettag $0x0;
	lr =	simm.s32 $0x1  }
0x2: {  	[smem:$0x3F8F] =	sst lr;
	_ =	strace $0xD0000000  }
0x3: {  	_ = 	snop  }
0x4: {  	_ = 	snop  }
0x5: {  	_ = 	snop  }
0x6: {  	_ = 	snop  }
0x7: {  	_ = 	snop  }
__scs_overlays_trampoline_lowered:
0x8: {  	[smem:$0x3F9E] =	sst s0  }
0x9: {  	[smem:$0x3F9F] =	sst s1  }
0xa: {  	[smem:$0x3FA0] =	sst s2  }
0xb: {  	[smem:$0x3FA1] =	sst s3  }
0xc: {  	[smem:$0x3FA2] =	sst s4  }
0xd: {  	[smem:$0x3FA3] =	sst s5  }
0xe: {  	[smem:$0x3FA4] =	sst s6  }
0xf: {  	[smem:$0x3FA5] =	sst s7  }
0x10: {  	[smem:$0x3FA6] =	sst s8  }
0x11: {  	[smem:$0x3FA7] =	sst s9;
	s0 =	simm.s32 @!p0 $0x0  }
0x12: {  	s1 =	sld [smem:$0x3F8D];
	s0 =	simm.s32 @p0 $0x1  }
0x13: {  	[smem:$0x3FA8] =	sst s0;
	s0 =	simm.s32 @!p1 $0x0  }
0x14: {  	s2 =	sld [smem:$0x3F8C];
	s0 =	simm.s32 @p1 $0x1  }
0x15: {  	[smem:$0x3FA9] =	sst s0;
	s0 =	simm.s32 @!p2 $0x0  }
0x16: {  	s3 =	sld [smem:$0x3FDB];
	s0 =	simm.s32 @p2 $0x1  }
0x17: {  	s4 =	simm.s32 $0x1BF5;
	[smem:$0x3FAB] =	sst s0  }
0x18: {  	s0 =	sld [smem:$0x3F8E];
	_ =	swait.ge [sflag:s4], $0x0  }
0x19: {  	s7 =	sld [smem:$0x3F8F]  }
0x1a: {  	s8 =	sadd.s32 $0xFFFFE003, lr  }
0x1b: {  	s9 =	sadd.s32 $0xFFFFFEF7, lr;
	s5 =	simm.s32 $0xFFFFFFFF;
	p2 =	slt.u32 s8, $0xFFFFF086  }
0x1c: {  	p1 =	slt.u32 s9, $0xF7A;
	s5 =	simm.s32 @!p2 $0x0  }
0x1d: {  	s5 =	simm.s32 @p1 $0x1;
	p0 =	seq.s32 s7, s2  }
0x1e: {  	s7 =	smul.u32 @!p0 $0xF7A, s2;
	p2 =	seq.s32 @!p0 s5, $0x0  }
0x1f: {  	s9 =	smul.u32 $0xF7A, s1;
	s8 =	simm.s32 @!p0 $0x1BF5;
	p2 =	por !p2, p0  }
0x20: {  	[sflag:s8] =	ssyncset.s32 @!p0 $0xFFFFF086;
	s6 =	sadd.s32 @!p0 s3, s7;
	s7 =	simm.s32 @!p0 $0x108  }
0x21: {  	s3 =	sadd.s32 s3, s9;
	s6 =	sadd.s32 @!p0 $0x88, s6;
	s7 =	simm.s32 @p2 $0x1082  }
0x22: {  	[simem:s7], [sflag:s8] =	dma.local @!p0 [hbm:s6], $0xF7A  }
0x23: {  	s9 =	sor.u32 $0xD0000000, s2;
	s6 =	simm.s32 $0x108;
	_ =	swait.ge @!p0 [sflag:s8], $0x0  }
0x24: {  	s3 =	sadd.s32 $0x88, s3;
	s6 =	simm.s32 @!p1 $0x1082;
	[sflag:s4] =	ssyncset.s32 $0xFFFFF086  }
0x25: {  	[simem:s6], [sflag:s4] =	dma.local [hbm:s3], $0xF7A  }
0x26: {  	[smem:$0x3F8F] =	sst s1;
	(tag) =	ssettag s2;
	_ =	strace s9  }
0x27: {  	s1 =	sld [smem:$0x3F9F]  }
0x28: {  	s2 =	sld [smem:$0x3FA0]  }
0x29: {  	s4 =	sld [smem:$0x3FA2]  }
0x2a: {  	p0 =	seq.s32 s5, $0x0;
	s5 =	sld [smem:$0x3FA3]  }
0x2b: {  	s6 =	sld [smem:$0x3FA4]  }
0x2c: {  	s7 =	sld [smem:$0x3FA5]  }
0x2d: {  	s3 =	simm.s32 $0x108;
	s8 =	sld [smem:$0x3FA6]  }
0x2e: {  	s3 =	simm.s32 @!p0 $0x1082;
	s9 =	sld [smem:$0x3FA7]  }
0x2f: {  	lr =	sadd.s32 s0, s3;
	s0 =	sld [smem:$0x3F9E]  }
0x30: {  	s3 =	sld [smem:$0x3FA1]  }
0x31: {  	[smem:$0x3FAA] =	sst s10  }
0x32: {  	s10 =	sld [smem:$0x3FA8];
	_ =	sdelay $0x3  }
0x33: {  	p0 =	seq.s32 s10, $0x1;
	s10 =	sld [smem:$0x3FAA];
	_ =	sdelay $0x3  }
0x34: {  	[smem:$0x3FAA] =	sst s10  }
0x35: {  	s10 =	sld [smem:$0x3FA9];
	_ =	sdelay $0x3  }
0x36: {  	p1 =	seq.s32 s10, $0x1;
	s10 =	sld [smem:$0x3FAA];
	_ =	sdelay $0x3  }
0x37: {  	[smem:$0x3FAA] =	sst s10  }
0x38: {  	s10 =	sld [smem:$0x3FAB]  }
0x39: {  	_ = 	snop;
	(pc) =	sbr.ind lr, $3  }
0x3a: {  	_ = 	snop  }
0x3b: {  	_ = 	snop  }
0x3c: {  	p2 =	seq.s32 s10, $0x1;
	s10 =	sld [smem:$0x3FAA]  }
0x3d: {  	_ =	shalt  }
0x3e: {  	_ =	shalt  }
0x3f: {  	_ =	shalt  }
0x40: {  	_ =	shalt  }
0x41: {  	_ =	shalt  }
0x42: {  	_ =	shalt  }
0x43: {  	_ =	shalt  }
0x44: {  	_ =	shalt  }
0x45: {  	_ =	shalt  }
0x46: {  	_ =	shalt  }
0x47: {  	_ =	shalt  }
0x48: {  	_ =	shalt  }
0x49: {  	_ =	shalt  }
0x4a: {  	_ =	shalt  }
0x4b: {  	_ =	shalt  }
0x4c: {  	_ =	shalt  }
0x4d: {  	_ =	shalt  }
0x4e: {  	_ =	shalt  }
0x4f: {  	_ =	shalt  }
0x50: {  	_ =	shalt  }
0x51: {  	_ =	shalt  }
0x52: {  	_ =	shalt  }
0x53: {  	_ =	shalt  }
0x54: {  	_ =	shalt  }
0x55: {  	_ =	shalt  }
0x56: {  	_ =	shalt  }
0x57: {  	_ =	shalt  }
0x58: {  	_ =	shalt  }
0x59: {  	_ =	shalt  }
0x5a: {  	_ =	shalt  }
0x5b: {  	_ =	shalt  }
0x5c: {  	_ =	shalt  }
0x5d: {  	_ =	shalt  }
0x5e: {  	_ =	shalt  }
0x5f: {  	_ =	shalt  }
0x60: {  	_ =	shalt  }
0x61: {  	_ =	shalt  }
0x62: {  	_ =	shalt  }
0x63: {  	_ =	shalt  }
0x64: {  	_ =	shalt  }
0x65: {  	_ =	shalt  }
0x66: {  	_ =	shalt  }
0x67: {  	_ =	shalt  }
0x68: {  	_ =	shalt  }
0x69: {  	_ =	shalt  }
0x6a: {  	_ =	shalt  }
0x6b: {  	_ =	shalt  }
0x6c: {  	_ =	shalt  }
0x6d: {  	_ =	shalt  }
0x6e: {  	_ =	shalt  }
0x6f: {  	_ =	shalt  }
0x70: {  	_ =	shalt  }
0x71: {  	_ =	shalt  }
0x72: {  	_ =	shalt  }
0x73: {  	_ =	shalt  }
0x74: {  	_ =	shalt  }
0x75: {  	_ =	shalt  }
0x76: {  	_ =	shalt  }
0x77: {  	_ =	shalt  }
0x78: {  	_ =	shalt  }
0x79: {  	_ =	shalt  }
0x7a: {  	_ =	shalt  }
0x7b: {  	_ =	shalt  }
0x7c: {  	_ =	shalt  }
0x7d: {  	_ =	shalt  }
0x7e: {  	_ =	shalt  }
0x7f: {  	_ =	shalt  }
0x80: {  	_ =	shalt  }
0x81: {  	_ =	shalt  }
0x82: {  	_ =	shalt  }
0x83: {  	_ =	shalt  }
0x84: {  	_ =	shalt  }
0x85: {  	_ =	shalt  }
0x86: {  	_ =	shalt  }
0x87: {  	_ =	shalt  }
.Lfunc_end0:
.L_simem_size_0:
called_computation.1_lowered:
.L_overlay_start_0:
0x88: {  	s2 =	sld [smem:$0x3FD9]  }
0x89: {  	s3 =	sld [smem:$0x3FFE];
	_ =	sdelay $0x1  }
0x8a: {  	s1 =	srdreg.scid  }
0x8b: {  	s0 =	sand.u32 $0x1, s1  }
0x8c: {  	s16 =	sshll.u32 s0, $0xA;
	s2 =	sadd.s32 s3, s2  }
0x8d: {  	s2 =	sadd.s32 s2, s16  }
0x8e: {  	[smem:$0x3FB6] =	sst s2  }
0x8f: {  	_ = 	snop  }
0x90: {  	(tm) =	ssettm $0x1  }
0x91: {  	s17 =	sld [smem:$0x3FFB];
	_ =	sdelay $0x3  }
0x92: {  	_ =	strace s17  }
0x93: {  	s2 =	sld [smem:$0x3FFC];
	_ =	sdelay $0x3  }
0x94: {  	_ =	strace s2  }
0x95: {  	s2 =	sld [smem:$0x3FFD];
	_ =	sdelay $0x3  }
0x96: {  	_ =	strace s2  }
0x97: {  	_ =	strace $0x8FFFFFFF  }
0x98: {  	s18 =	sld [smem:$0x3FDB];
	_ =	sdelay $0x1  }
0x99: {  	s19 =	simm.s32 $_scs_section_size  }
0x9a: {  	s4 =	simm.s32 $_size__tile_overlayer_lowered;
	s5 =	simm.s32 $_tile_overlayer_lowered  }
0x9b: {  	s22 =	simm.s32 $0x1BFF;
	s21 =	sshll.u32 s5, $0x1;
	s2 =	sadd.s32 s19, s18  }
0x9c: {  	s6 =	simm.s32 $0x0;
	s20 =	sshll.u32 s4, $0x1;
	s4 =	sadd.s32 s21, s2  }
0x9d: {  	[timem:s6], [sflag:s22] =	dma.local [hbm:s4], s20  }
0x9e: {  	_ =	swait.ge [sflag:s22], s20  }
0x9f: {  	s3 =	ssub.s32 $0x0, s20;
	[sflag:s22] =	ssyncset.done $0x0  }
0xa0: {  	[sflag:s22] =	ssyncadd.s32 s3;
	_ =	sdelay $0x1  }
0xa1: {  	s23 =	simm.s32 $0x1B8B  }
0xa2: {  	_ =	swait.ge [sflag:s23], $0x1  }
0xa3: {  	[sflag:s23] =	ssyncset.done $0x0  }
0xa4: {  	s25 =	simm.s32 $0x1B8E;
	s24 =	sld [smem:$0x3FFE];
	[sflag:s23] =	ssyncadd.s32 $0xFFFFFFFF  }
0xa5: {  	s26 =	simm.s32 $execute0_lowered;
	[smem:$0x3FD2] =	sst s25  }
0xa6: {  	s4 =	sshll.u32 s26, $0x1;
	_ =	strace $0x80000049;
	[dreg:$0x1] =	wrdreg $0xFFFFFFFF  }
0xa7: {  	s28 =	simm.s32 $_size_execute0_lowered;
	s2 =	sadd.s32 s2, s4;
	[dreg:$0x0] =	wrdreg $0x0  }
0xa8: {  	s4 =	sshll.u32 s28, $0x1;
	[dreg:$0x2] =	wrdreg s2  }
0xa9: {  	[dreg:$0x3] =	wrdreg s4  }
0xaa: {  	[dreg:$0x4] =	wrdreg $0xC0  }
0xab: {  	_ =	task [dreg:s6], $0x5FFFF  }
0xac: {  	[dreg:$0x1] =	wrdreg $0xFFFFFFFF  }
0xad: {  	[dreg:$0x0] =	wrdreg $0x60  }
0xae: {  	[dreg:$0x2] =	wrdreg s24  }
0xaf: {  	[dreg:$0x3] =	wrdreg $0x68000  }
0xb0: {  	[dreg:$0x4] =	wrdreg $0x9  }
0xb1: {  	_ =	task.clear_ibuf [dreg:s6], $0x5FFFF;
	_ =	strace $0x90000049  }
0xb2: {  	s29 =	simm.s32 $0x9;
	_ =	strace $0x8000004B  }
0xb3: {  	_ =	swait.ge [sflag:s29], $0x1  }
0xb4: {  	[sflag:s29] =	ssyncadd.s32 $0xFFFFFFFF  }
0xb5: {  	_ =	strace $0x9000004B  }
0xb6: {  	_ =	sfence  }
0xb7: {  	s30 =	sld [smem:$0x0];
	_ =	sdelay $0x2  }
0xb8: {  	s31 =	sshll.u32 s1, $0xD;
	s1 =	sshrl.u32 s1, $0x2  }
0xb9: {  	s3 =	sand.u32 $0x4000, s31;
	s1 =	sadd.s32 s1, s30  }
0xba: {  	s0 =	sor.u32 s3, s0;
	s1 =	sshll.u32 s1, $0x11  }
0xbb: {  	s0 =	sor.u32 s1, s0  }
0xbc: {  	s0 =	sadd.s32 $0x8F2B, s0  }
0xbd: {  	[sflag:s0] =	ssyncadd.remote.s32 $0x1  }
0xbe: {  	_ =	sfence.sel $0xFFFF  }
0xbf: {  	[dreg:$0x0] =	wrdreg $0xFFFFFFFF;
	(pc) =	sbr.abs _section_cstart, $3  }
0xc0: {  	[dreg:$0x1] =	wrdreg $0xFFFFFFFF  }
0xc1: {  	_ =	task.clear_ibuf [dreg:s6], $0x2FFFF;
	_ =	strace $0x9FFFFFFF  }
0xc2: {  	(tm) =	ssettm $0x7FFFFFFF  }
0xc3: {  	_ =	shalt  }
tec
execute0_lowered:
.L_overlay_start_1:
0x0: {  	(tag) =	ssettag $0x1  }
0x1: {  	s6 =	rddreg [dreg:$0x0]  }
0x2: {  	s1 =	rddreg [dreg:$0x1]  }
0x3: {  	s0 =	rddreg [dreg:$0x2];
	s2 =	simm.s32 $0x0  }
0x4: {  	s3 =	srdreg.scid;
	s17 =	simm.s32 $0x1400;
	s18 =	simm.s32 $0x80  }
0x5: {  	s19 =	simm.s32 $0x2800;
	[smem:$0x7FF] =	sst s2;
	s4 =	sadd.s32 $0x7F9400, s6  }
0x6: {  	s13 =	sadd.s32 $0x87400, s6;
	s7 =	sand.u32 $0x1, s3;
	s3 =	stileid.u32  }
0x7: {  	s14 =	sadd.s32 $0x8C400, s6;
	s5 =	sadd.s32 $0x35C00, s6;
	s10 =	smul.u32 $0x4F000, s3  }
0x8: {  	s6 =	sadd.s32 $0xBAD400, s6;
	s8 =	ssub.s32 $0x2, s7;
	s29 =	smul.u32 $0x2800, s3  }
0x9: {  	_ =	strace $0x8000004A;
	s7 =	smul.u32 $0xC, s7;
	s9 =	sshrl.u32 s8, $0x1  }
0xa: {  	s31 =	sshll.u32 s3, $0x6;
	s11 =	ssub.s32 s8, s9;
	s30 =	sshrl.u32 s10, $0x2  }
0xb: {  	s8 =	sor.u32 $0x1C01, s31;
	s12 =	sshrl.u32 s29, $0x3;
	s9 =	smul.u32 $0x13C00, s3  }
0xc: {  	s15 =	sadd.s32 s30, s1;
	s10 =	smax.u32 s11, $0x1;
	s16 =	sadd.s32 $0x280, s12  }
0xd: {  	s11 =	sadd.s32 s13, s12;
	s12 =	sadd.s32 s14, s12;
	s13 =	sadd.s32 s13, s16  }
0xe: {  	s14 =	sadd.s32 s14, s16;
	s15 =	sshrl.u32 s15, $0x3;
	s16 =	simm.s32 $0x1  }
.LBB2_1:
0xf: {  	s20 =	simm.s32 $0x0  }
.LBB2_2:
0x10: {  	[spmem:s15], [sflag:s8] =	dma.local [hbm:s5], $0x2780  }
0x11: {  	_ =	swait.ge [sflag:s16], $0x2780  }
0x12: {  	[sflag:s16] =	ssyncset.done $0x0  }
0x13: {  	[sflag:s16] =	ssyncadd.s32 $0xFFFFD880  }
0x14: {  	s21 =	simm.s32 $0x0;
	[bflag:$0x0] =	sbarrier.arrive $0xFFFF  }
0x15: {  	[tilespmem:s21], [sflag:$0x1] =	stream.linear.gather [hbm4b:s11+s21], $0x1400, $0x38;
	[tilespmem:$0x1A400] =	vst v63  }
0x16: {  	_ =	swait.ge [sflag:s16], $0x1400  }
0x17: {  	[sflag:s16] =	ssyncset.done $0x0  }
0x18: {  	[sflag:s16] =	ssyncadd.s32 $0xFFFFEC00  }
0x19: {  	[tilespmem:s17], [sflag:$0x1] =	stream.linear.gather [hbm4b:s12+s21], $0x1400, $0x38;
	[tilespmem:$0x1A400] =	vst v63  }
0x1a: {  	_ =	swait.ge [sflag:s16], $0x1400  }
0x1b: {  	[sflag:s16] =	ssyncset.done $0x0  }
0x1c: {  	s22 =	simm.s32 $0x0;
	[sflag:s16] =	ssyncadd.s32 $0xFFFFEC00  }
0x1d: {  	v3 =	vld [tilespmem:s22+$0x0]  }
0x1e: {  	v6 =	vld [tilespmem:s22+$0x10]  }
0x1f: {  	v5 =	vld [tilespmem:s22+$0x20]  }
0x20: {  	v4 =	vld [tilespmem:s22+$0x30]  }
0x21: {  	v2 =	vld [tilespmem:s22+$0x40]  }
0x22: {  	s21 =	sadd.s32 s7, s20;
	v1 =	vld [tilespmem:s22+$0x50];
	v7 =	vmul.u32 $0x18, v3  }
0x23: {  	s23 =	simm.s32 $0x200;
	v0 =	vmov s21;
	v6 =	vmul.u32 $0x18, v6;
	v3 =	vld [tilespmem:s22+$0x60]  }
.LBB2_3:
0x24: {  	p0 =	sne.s32 s23, $0x4E00;
	v7 =	vadd.s32 v0, v7;
	v5 =	vmul.u32 $0x18, v5;
	v8 =	vld [tilespmem:s22+$0x70]  }
0x25: {  	s24 =	sshra.s32 s23, $0x2;
	[tilespmem:s22+$0x0] =	vst v7;
	v6 =	vadd.s32 v0, v6;
	v4 =	vmul.u32 $0x18, v4  }
0x26: {  	v7 =	vld [tilespmem:s24+$0x0];
	[tilespmem:s22+$0x10] =	vst v6;
	v5 =	vadd.s32 v0, v5;
	v2 =	vmul.u32 $0x18, v2  }
0x27: {  	v6 =	vld [tilespmem:s24+$0x10];
	[tilespmem:s22+$0x20] =	vst v5;
	v4 =	vadd.s32 v0, v4;
	v1 =	vmul.u32 $0x18, v1  }
.Ltmp0:
0x28: {  	v5 =	vld [tilespmem:s24+$0x20];
	[tilespmem:s22+$0x30] =	vst v4;
	v2 =	vadd.s32 v0, v2;
	v3 =	vmul.u32 $0x18, v3;
	(pc) =	sbr.rel @p0 .LBB2_3-.Ltmp0, $4  }
0x29: {  	v4 =	vld [tilespmem:s24+$0x30];
	[tilespmem:s22+$0x40] =	vst v2;
	v1 =	vadd.s32 v0, v1;
	v8 =	vmul.u32 $0x18, v8  }
0x2a: {  	v2 =	vld [tilespmem:s24+$0x40];
	[tilespmem:s22+$0x50] =	vst v1;
	v3 =	vadd.s32 v0, v3  }
0x2b: {  	v7 =	vmul.u32 $0x18, v7;
	v1 =	vld [tilespmem:s24+$0x50];
	[tilespmem:s22+$0x60] =	vst v3;
	v8 =	vadd.s32 v0, v8  }
0x2c: {  	s23 =	sadd.s32 $0x200, s23;
	v6 =	vmul.u32 $0x18, v6;
	v3 =	vld [tilespmem:s24+$0x60];
	[tilespmem:s22+$0x70] =	vst v8;
	s22 =	smov.u32 s24  }
0x2d: {  	v7 =	vadd.s32 v0, v7;
	v5 =	vmul.u32 $0x18, v5;
	v8 =	vld [tilespmem:s22+$0x70]  }
0x2e: {  	[tilespmem:s22+$0x0] =	vst v7;
	v6 =	vadd.s32 v0, v6;
	v4 =	vmul.u32 $0x18, v4  }
0x2f: {  	[tilespmem:s22+$0x10] =	vst v6;
	v5 =	vadd.s32 v0, v5;
	v2 =	vmul.u32 $0x18, v2  }
0x30: {  	[tilespmem:s22+$0x20] =	vst v5;
	v4 =	vadd.s32 v0, v4;
	v1 =	vmul.u32 $0x18, v1  }
0x31: {  	[tilespmem:s22+$0x30] =	vst v4;
	v2 =	vadd.s32 v0, v2;
	v3 =	vmul.u32 $0x18, v3  }
0x32: {  	[tilespmem:s22+$0x40] =	vst v2;
	v1 =	vadd.s32 v0, v1;
	v2 =	vmul.u32 $0x18, v8  }
0x33: {  	[tilespmem:s22+$0x50] =	vst v1;
	v1 =	vadd.s32 v0, v3  }
0x34: {  	[tilespmem:s22+$0x60] =	vst v1;
	v1 =	vadd.s32 v0, v2  }
0x35: {  	s30 =	simm.s32 $0x0;
	[tilespmem:s22+$0x70] =	vst v1  }
0x36: {  	[tilespmem:s19], [sflag:$0x1] =	stream.indirect.gather [hbm4b:s4+s18], $0x80, s30, s18, $0xb8;
	[tilespmem:$0x1A400] =	vst v63  }
0x37: {  	_ =	swait.ge [sflag:s16], $0x4000  }
0x38: {  	[sflag:s16] =	ssyncset.done $0x0  }
0x39: {  	s31 =	simm.s32 $0x1400;
	[sflag:s16] =	ssyncadd.s32 $0xFFFFC000  }
0x3a: {  	[spmem:s1] =	stream.indirect.scatter.add.f32 [tilespmem:s19], [sflag:$0x1], $0x80, s31, s18, $0xb8;
	[tilespmem:$0x1A400] =	vst v63  }
0x3b: {  	_ =	swait.ge [sflag:s16], $0x4000  }
0x3c: {  	s23 =	simm.s32 $0x400;
	s22 =	simm.s32 $0x200;
	[sflag:s16] =	ssyncset.done $0x0  }
.LBB2_5:
0x3d: {  	s24 =	sshra.s32 s22, $0x2  }
0x3e: {  	[sflag:s16] =	ssyncadd.s32 $0xFFFFC000;
	s22 =	smov.u32 s23;
	s25 =	sadd.s32 $0x200, s23  }
0x3f: {  	[tilespmem:s19], [sflag:$0x1] =	stream.indirect.gather [hbm4b:s4+s18], $0x80, s24, s18, $0xb8;
	[tilespmem:$0x1A400] =	vst v63  }
0x40: {  	p0 =	sne.s32 s23, $0x4E00;
	_ =	swait.ge [sflag:s16], $0x4000  }
.Ltmp1:
0x41: {  	[sflag:s16] =	ssyncset.done $0x0;
	(pc) =	sbr.rel @p0 .LBB2_5-.Ltmp1, $4  }
0x42: {  	s23 =	sadd.s32 $0x1400, s24;
	[sflag:s16] =	ssyncadd.s32 $0xFFFFC000  }
0x43: {  	[spmem:s1] =	stream.indirect.scatter.add.f32 [tilespmem:s19], [sflag:$0x1], $0x80, s23, s18, $0xb8;
	[tilespmem:$0x1A400] =	vst v63  }
0x44: {  	_ =	swait.ge [sflag:s16], $0x4000  }
0x45: {  	s23 =	smov.u32 s25;
	[sflag:s16] =	ssyncset.done $0x0  }
0x46: {  	s22 =	sshra.s32 s22, $0x2;
	[sflag:s16] =	ssyncadd.s32 $0xFFFFC000  }
0x47: {  	[tilespmem:s19], [sflag:$0x1] =	stream.indirect.gather [hbm4b:s4+s18], $0x80, s22, s18, $0xb8;
	[tilespmem:$0x1A400] =	vst v63  }
0x48: {  	_ =	swait.ge [sflag:s16], $0x4000  }
0x49: {  	[sflag:s16] =	ssyncset.done $0x0  }
0x4a: {  	s22 =	sadd.s32 $0x1400, s22;
	[sflag:s16] =	ssyncadd.s32 $0xFFFFC000  }
0x4b: {  	[spmem:s1] =	stream.indirect.scatter.add.f32 [tilespmem:s19], [sflag:$0x1], $0x80, s22, s18, $0xb8;
	[tilespmem:$0x1A400] =	vst v63  }
0x4c: {  	_ =	swait.ge [sflag:s16], $0x4000  }
0x4d: {  	[sflag:s16] =	ssyncset.done $0x0  }
0x4e: {  	s31 =	simm.s32 $0x0;
	[sflag:s16] =	ssyncadd.s32 $0xFFFFC000  }
0x4f: {  	[tilespmem:s31], [sflag:$0x1] =	stream.linear.gather [hbm4b:s13+s31], $0x1400, $0x38;
	[tilespmem:$0x1A400] =	vst v63  }
0x50: {  	_ =	swait.ge [sflag:s16], $0x1400  }
0x51: {  	[sflag:s16] =	ssyncset.done $0x0  }
0x52: {  	[sflag:s16] =	ssyncadd.s32 $0xFFFFEC00  }
0x53: {  	[tilespmem:s17], [sflag:$0x1] =	stream.linear.gather [hbm4b:s14+s31], $0x1400, $0x38;
	[tilespmem:$0x1A400] =	vst v63  }
0x54: {  	_ =	swait.ge [sflag:s16], $0x1400  }
0x55: {  	[sflag:s16] =	ssyncset.done $0x0  }
0x56: {  	s22 =	simm.s32 $0x0;
	[sflag:s16] =	ssyncadd.s32 $0xFFFFEC00  }
0x57: {  	v2 =	vld [tilespmem:s22+$0x0]  }
0x58: {  	v6 =	vld [tilespmem:s22+$0x10]  }
0x59: {  	v5 =	vld [tilespmem:s22+$0x20]  }
0x5a: {  	v4 =	vld [tilespmem:s22+$0x30]  }
0x5b: {  	v3 =	vld [tilespmem:s22+$0x40]  }
0x5c: {  	v1 =	vld [tilespmem:s22+$0x50];
	v7 =	vmul.u32 $0x18, v2  }
0x5d: {  	s23 =	simm.s32 $0x200;
	v6 =	vmul.u32 $0x18, v6;
	v2 =	vld [tilespmem:s22+$0x60]  }
.LBB2_7:
0x5e: {  	p0 =	sne.s32 s23, $0x4E00;
	v7 =	vadd.s32 v0, v7;
	v5 =	vmul.u32 $0x18, v5;
	v8 =	vld [tilespmem:s22+$0x70]  }
0x5f: {  	s24 =	sshra.s32 s23, $0x2;
	[tilespmem:s22+$0x0] =	vst v7;
	v6 =	vadd.s32 v0, v6;
	v4 =	vmul.u32 $0x18, v4  }
0x60: {  	v7 =	vld [tilespmem:s24+$0x0];
	[tilespmem:s22+$0x10] =	vst v6;
	v5 =	vadd.s32 v0, v5;
	v3 =	vmul.u32 $0x18, v3  }
0x61: {  	v6 =	vld [tilespmem:s24+$0x10];
	[tilespmem:s22+$0x20] =	vst v5;
	v4 =	vadd.s32 v0, v4;
	v1 =	vmul.u32 $0x18, v1  }
.Ltmp2:
0x62: {  	v5 =	vld [tilespmem:s24+$0x20];
	[tilespmem:s22+$0x30] =	vst v4;
	v3 =	vadd.s32 v0, v3;
	v2 =	vmul.u32 $0x18, v2;
	(pc) =	sbr.rel @p0 .LBB2_7-.Ltmp2, $4  }
0x63: {  	v4 =	vld [tilespmem:s24+$0x30];
	[tilespmem:s22+$0x40] =	vst v3;
	v1 =	vadd.s32 v0, v1;
	v8 =	vmul.u32 $0x18, v8  }
0x64: {  	v3 =	vld [tilespmem:s24+$0x40];
	[tilespmem:s22+$0x50] =	vst v1;
	v2 =	vadd.s32 v0, v2  }
0x65: {  	v7 =	vmul.u32 $0x18, v7;
	v1 =	vld [tilespmem:s24+$0x50];
	[tilespmem:s22+$0x60] =	vst v2;
	v8 =	vadd.s32 v0, v8  }
0x66: {  	s23 =	sadd.s32 $0x200, s23;
	v6 =	vmul.u32 $0x18, v6;
	v2 =	vld [tilespmem:s24+$0x60];
	[tilespmem:s22+$0x70] =	vst v8;
	s22 =	smov.u32 s24  }
0x67: {  	v7 =	vadd.s32 v0, v7;
	v5 =	vmul.u32 $0x18, v5;
	v8 =	vld [tilespmem:s22+$0x70]  }
0x68: {  	[tilespmem:s22+$0x0] =	vst v7;
	v6 =	vadd.s32 v0, v6;
	v4 =	vmul.u32 $0x18, v4  }
0x69: {  	[tilespmem:s22+$0x10] =	vst v6;
	v5 =	vadd.s32 v0, v5;
	v3 =	vmul.u32 $0x18, v3  }
0x6a: {  	[tilespmem:s22+$0x20] =	vst v5;
	v4 =	vadd.s32 v0, v4;
	v1 =	vmul.u32 $0x18, v1  }
0x6b: {  	[tilespmem:s22+$0x30] =	vst v4;
	v3 =	vadd.s32 v0, v3;
	v2 =	vmul.u32 $0x18, v2  }
0x6c: {  	[tilespmem:s22+$0x40] =	vst v3;
	v1 =	vadd.s32 v0, v1;
	v61 =	vmul.u32 $0x18, v8  }
0x6d: {  	[tilespmem:s22+$0x50] =	vst v1;
	v62 =	vadd.s32 v0, v2  }
0x6e: {  	[tilespmem:s22+$0x60] =	vst v62;
	v63 =	vadd.s32 v0, v61  }
0x6f: {  	s30 =	simm.s32 $0x0;
	[tilespmem:s22+$0x70] =	vst v63  }
0x70: {  	[tilespmem:s19], [sflag:$0x1] =	stream.indirect.gather [hbm4b:s4+s18], $0x80, s30, s18, $0xb8;
	[tilespmem:$0x1A400] =	vst v63  }
0x71: {  	_ =	swait.ge [sflag:s16], $0x4000  }
0x72: {  	[sflag:s16] =	ssyncset.done $0x0  }
0x73: {  	s31 =	simm.s32 $0x1400;
	[sflag:s16] =	ssyncadd.s32 $0xFFFFC000  }
0x74: {  	[spmem:s1] =	stream.indirect.scatter.add.f32 [tilespmem:s19], [sflag:$0x1], $0x80, s31, s18, $0xb8;
	[tilespmem:$0x1A400] =	vst v63  }
0x75: {  	_ =	swait.ge [sflag:s16], $0x4000  }
0x76: {  	s23 =	simm.s32 $0x400;
	s22 =	simm.s32 $0x200;
	[sflag:s16] =	ssyncset.done $0x0  }
.LBB2_9:
0x77: {  	s24 =	sshra.s32 s22, $0x2  }
0x78: {  	[sflag:s16] =	ssyncadd.s32 $0xFFFFC000;
	s22 =	smov.u32 s23;
	s25 =	sadd.s32 $0x200, s23  }
0x79: {  	[tilespmem:s19], [sflag:$0x1] =	stream.indirect.gather [hbm4b:s4+s18], $0x80, s24, s18, $0xb8;
	[tilespmem:$0x1A400] =	vst v63  }
0x7a: {  	p0 =	sne.s32 s23, $0x4E00;
	_ =	swait.ge [sflag:s16], $0x4000  }
.Ltmp3:
0x7b: {  	[sflag:s16] =	ssyncset.done $0x0;
	(pc) =	sbr.rel @p0 .LBB2_9-.Ltmp3, $4  }
0x7c: {  	s23 =	sadd.s32 $0x1400, s24;
	[sflag:s16] =	ssyncadd.s32 $0xFFFFC000  }
0x7d: {  	[spmem:s1] =	stream.indirect.scatter.add.f32 [tilespmem:s19], [sflag:$0x1], $0x80, s23, s18, $0xb8;
	[tilespmem:$0x1A400] =	vst v63  }
0x7e: {  	_ =	swait.ge [sflag:s16], $0x4000  }
0x7f: {  	s23 =	smov.u32 s25;
	[sflag:s16] =	ssyncset.done $0x0  }
0x80: {  	s22 =	sshra.s32 s22, $0x2;
	[sflag:s16] =	ssyncadd.s32 $0xFFFFC000  }
0x81: {  	[tilespmem:s19], [sflag:$0x1] =	stream.indirect.gather [hbm4b:s4+s18], $0x80, s22, s18, $0xb8;
	[tilespmem:$0x1A400] =	vst v63  }
0x82: {  	_ =	swait.ge [sflag:s16], $0x4000  }
0x83: {  	[sflag:s16] =	ssyncset.done $0x0  }
0x84: {  	s21 =	smul.u32 $0x13C000, s21;
	s22 =	sadd.s32 $0x1400, s22;
	[sflag:s16] =	ssyncadd.s32 $0xFFFFC000  }
0x85: {  	[spmem:s1] =	stream.indirect.scatter.add.f32 [tilespmem:s19], [sflag:$0x1], $0x80, s22, s18, $0xb8;
	[tilespmem:$0x1A400] =	vst v63  }
0x86: {  	_ =	swait.ge [sflag:s16], $0x4000  }
0x87: {  	s20 =	sadd.s32 $0x1, s20;
	s21 =	sadd.s32 s9, s21;
	[sflag:s16] =	ssyncset.done $0x0  }
0x88: {  	p0 =	sne.s32 s20, $0xC;
	s21 =	sshrl.u32 s21, $0x3;
	[sflag:s16] =	ssyncadd.s32 $0xFFFFC000  }
.Ltmp4:
0x89: {  	s21 =	sadd.s32 s6, s21;
	[bflag:$0x0] =	sbarrier.arrive $0xFFFF;
	(pc) =	sbr.rel @p0 .LBB2_2-.Ltmp4, $4  }
0x8a: {  	[hbm:s21], [sflag:s8] =	dma.local [spmem:s15], $0x2780  }
0x8b: {  	_ =	swait.ge [sflag:s16], $0x2780  }
0x8c: {  	[sflag:s16] =	ssyncset.done $0x0  }
0x8d: {  	[sflag:s16] =	ssyncadd.s32 $0xFFFFD880  }
0x8e: {  	s2 =	sadd.s32 $0x1, s2  }
0x8f: {  	p0 =	sne.s32 s2, s10  }
.Ltmp5:
0x90: {  	_ = 	snop;
	(pc) =	sbr.rel @p0 .LBB2_1-.Ltmp5, $1  }
0x91: {  	_ =	sdelay $0x3  }
0x92: {  	_ =	sfence.sel $0x180000  }
0x93: {  	[bflag:$0x0] =	sbarrier.arrive $0xFFFF  }
0x94: {  	p0 =	sne.s32 s3, $0x0;
	_ =	strace $0x9000004A  }
0x95: {  	s0 =	sadd.s32 @!p0 $0x100000, s0;
	[bflag:$0x2] =	sbarrier.arrive $0xFFFF  }
0x96: {  	[sflag:s0] =	ssyncadd.tile.s32 @!p0 $0x1;
	_ =	shalt  }
.Lfunc_end2:
_tile_overlayer_lowered:
.L_overlay_start_2:
0x97: {  	(tag) =	ssettag $0x2  }
0x98: {  	s0 =	rddreg [dreg:$0x0];
	s2 =	stileid.u32  }
0x99: {  	s1 =	rddreg [dreg:$0x1];
	p0 =	sne.s32 s2, $0x0  }
0x9a: {  	s3 =	rddreg [dreg:$0x2];
	[bflag:$0x3] =	sbarrier.arrive $0xFFFF;
	s2 =	simm.s32 @!p0 $0x1C01  }
0x9b: {  	[timem:s3], [sflag:s2] =	dma.local @!p0 [hbm:s0], s1  }
0x9c: {  	s0 =	simm.s32 @!p0 $0x1  }
0x9d: {  	_ =	swait.ge @!p0 [sflag:s0], s1  }
0x9e: {  	s1 =	ssub.s32 @!p0 $0x0, s1;
	[sflag:s0] =	ssyncset.done @!p0 $0x0  }
0x9f: {  	[sflag:s0] =	ssyncadd.s32 @!p0 s1  }
0xa0: {  	[bflag:$0x3] =	sbarrier.arrive $0xFFFF  }
0xa1: {  	_ =	shalt  }

// kernel: kernel.7.cloned.1.call-start
scs
__scs_entry_jumppad:
0x0: {  	(pc) =	sbr.rel $0x88, $3  }
0x1: {  	(tag) =	ssettag $0x0;
	lr =	simm.s32 $0x1  }
0x2: {  	[smem:$0x3F8F] =	sst lr;
	_ =	strace $0xD0000000  }
0x3: {  	_ = 	snop  }
0x4: {  	_ = 	snop  }
0x5: {  	_ = 	snop  }
0x6: {  	_ = 	snop  }
0x7: {  	_ = 	snop  }
__scs_overlays_trampoline_lowered:
0x8: {  	[smem:$0x3F9E] =	sst s0  }
0x9: {  	[smem:$0x3F9F] =	sst s1  }
0xa: {  	[smem:$0x3FA0] =	sst s2  }
0xb: {  	[smem:$0x3FA1] =	sst s3  }
0xc: {  	[smem:$0x3FA2] =	sst s4  }
0xd: {  	[smem:$0x3FA3] =	sst s5  }
0xe: {  	[smem:$0x3FA4] =	sst s6  }
0xf: {  	[smem:$0x3FA5] =	sst s7  }
0x10: {  	[smem:$0x3FA6] =	sst s8  }
0x11: {  	[smem:$0x3FA7] =	sst s9;
	s0 =	simm.s32 @!p0 $0x0  }
0x12: {  	s1 =	sld [smem:$0x3F8D];
	s0 =	simm.s32 @p0 $0x1  }
0x13: {  	[smem:$0x3FA8] =	sst s0;
	s0 =	simm.s32 @!p1 $0x0  }
0x14: {  	s2 =	sld [smem:$0x3F8C];
	s0 =	simm.s32 @p1 $0x1  }
0x15: {  	[smem:$0x3FA9] =	sst s0;
	s0 =	simm.s32 @!p2 $0x0  }
0x16: {  	s3 =	sld [smem:$0x3FDB];
	s0 =	simm.s32 @p2 $0x1  }
0x17: {  	s4 =	simm.s32 $0x1BF5;
	[smem:$0x3FAB] =	sst s0  }
0x18: {  	s0 =	sld [smem:$0x3F8E];
	_ =	swait.ge [sflag:s4], $0x0  }
0x19: {  	s7 =	sld [smem:$0x3F8F]  }
0x1a: {  	s8 =	sadd.s32 $0xFFFFE003, lr  }
0x1b: {  	s9 =	sadd.s32 $0xFFFFFEF7, lr;
	s5 =	simm.s32 $0xFFFFFFFF;
	p2 =	slt.u32 s8, $0xFFFFF086  }
0x1c: {  	p1 =	slt.u32 s9, $0xF7A;
	s5 =	simm.s32 @!p2 $0x0  }
0x1d: {  	s5 =	simm.s32 @p1 $0x1;
	p0 =	seq.s32 s7, s2  }
0x1e: {  	s7 =	smul.u32 @!p0 $0xF7A, s2;
	p2 =	seq.s32 @!p0 s5, $0x0  }
0x1f: {  	s9 =	smul.u32 $0xF7A, s1;
	s8 =	simm.s32 @!p0 $0x1BF5;
	p2 =	por !p2, p0  }
0x20: {  	[sflag:s8] =	ssyncset.s32 @!p0 $0xFFFFF086;
	s6 =	sadd.s32 @!p0 s3, s7;
	s7 =	simm.s32 @!p0 $0x108  }
0x21: {  	s3 =	sadd.s32 s3, s9;
	s6 =	sadd.s32 @!p0 $0x88, s6;
	s7 =	simm.s32 @p2 $0x1082  }
0x22: {  	[simem:s7], [sflag:s8] =	dma.local @!p0 [hbm:s6], $0xF7A  }
0x23: {  	s9 =	sor.u32 $0xD0000000, s2;
	s6 =	simm.s32 $0x108;
	_ =	swait.ge @!p0 [sflag:s8], $0x0  }
0x24: {  	s3 =	sadd.s32 $0x88, s3;
	s6 =	simm.s32 @!p1 $0x1082;
	[sflag:s4] =	ssyncset.s32 $0xFFFFF086  }
0x25: {  	[simem:s6], [sflag:s4] =	dma.local [hbm:s3], $0xF7A  }
0x26: {  	[smem:$0x3F8F] =	sst s1;
	(tag) =	ssettag s2;
	_ =	strace s9  }
0x27: {  	s1 =	sld [smem:$0x3F9F]  }
0x28: {  	s2 =	sld [smem:$0x3FA0]  }
0x29: {  	s4 =	sld [smem:$0x3FA2]  }
0x2a: {  	p0 =	seq.s32 s5, $0x0;
	s5 =	sld [smem:$0x3FA3]  }
0x2b: {  	s6 =	sld [smem:$0x3FA4]  }
0x2c: {  	s7 =	sld [smem:$0x3FA5]  }
0x2d: {  	s3 =	simm.s32 $0x108;
	s8 =	sld [smem:$0x3FA6]  }
0x2e: {  	s3 =	simm.s32 @!p0 $0x1082;
	s9 =	sld [smem:$0x3FA7]  }
0x2f: {  	lr =	sadd.s32 s0, s3;
	s0 =	sld [smem:$0x3F9E]  }
0x30: {  	s3 =	sld [smem:$0x3FA1]  }
0x31: {  	[smem:$0x3FAA] =	sst s10  }
0x32: {  	s10 =	sld [smem:$0x3FA8];
	_ =	sdelay $0x3  }
0x33: {  	p0 =	seq.s32 s10, $0x1;
	s10 =	sld [smem:$0x3FAA];
	_ =	sdelay $0x3  }
0x34: {  	[smem:$0x3FAA] =	sst s10  }
0x35: {  	s10 =	sld [smem:$0x3FA9];
	_ =	sdelay $0x3  }
0x36: {  	p1 =	seq.s32 s10, $0x1;
	s10 =	sld [smem:$0x3FAA];
	_ =	sdelay $0x3  }
0x37: {  	[smem:$0x3FAA] =	sst s10  }
0x38: {  	s10 =	sld [smem:$0x3FAB]  }
0x39: {  	_ = 	snop;
	(pc) =	sbr.ind lr, $3  }
0x3a: {  	_ = 	snop  }
0x3b: {  	_ = 	snop  }
0x3c: {  	p2 =	seq.s32 s10, $0x1;
	s10 =	sld [smem:$0x3FAA]  }
0x3d: {  	_ =	shalt  }
0x3e: {  	_ =	shalt  }
0x3f: {  	_ =	shalt  }
0x40: {  	_ =	shalt  }
0x41: {  	_ =	shalt  }
0x42: {  	_ =	shalt  }
0x43: {  	_ =	shalt  }
0x44: {  	_ =	shalt  }
0x45: {  	_ =	shalt  }
0x46: {  	_ =	shalt  }
0x47: {  	_ =	shalt  }
0x48: {  	_ =	shalt  }
0x49: {  	_ =	shalt  }
0x4a: {  	_ =	shalt  }
0x4b: {  	_ =	shalt  }
0x4c: {  	_ =	shalt  }
0x4d: {  	_ =	shalt  }
0x4e: {  	_ =	shalt  }
0x4f: {  	_ =	shalt  }
0x50: {  	_ =	shalt  }
0x51: {  	_ =	shalt  }
0x52: {  	_ =	shalt  }
0x53: {  	_ =	shalt  }
0x54: {  	_ =	shalt  }
0x55: {  	_ =	shalt  }
0x56: {  	_ =	shalt  }
0x57: {  	_ =	shalt  }
0x58: {  	_ =	shalt  }
0x59: {  	_ =	shalt  }
0x5a: {  	_ =	shalt  }
0x5b: {  	_ =	shalt  }
0x5c: {  	_ =	shalt  }
0x5d: {  	_ =	shalt  }
0x5e: {  	_ =	shalt  }
0x5f: {  	_ =	shalt  }
0x60: {  	_ =	shalt  }
0x61: {  	_ =	shalt  }
0x62: {  	_ =	shalt  }
0x63: {  	_ =	shalt  }
0x64: {  	_ =	shalt  }
0x65: {  	_ =	shalt  }
0x66: {  	_ =	shalt  }
0x67: {  	_ =	shalt  }
0x68: {  	_ =	shalt  }
0x69: {  	_ =	shalt  }
0x6a: {  	_ =	shalt  }
0x6b: {  	_ =	shalt  }
0x6c: {  	_ =	shalt  }
0x6d: {  	_ =	shalt  }
0x6e: {  	_ =	shalt  }
0x6f: {  	_ =	shalt  }
0x70: {  	_ =	shalt  }
0x71: {  	_ =	shalt  }
0x72: {  	_ =	shalt  }
0x73: {  	_ =	shalt  }
0x74: {  	_ =	shalt  }
0x75: {  	_ =	shalt  }
0x76: {  	_ =	shalt  }
0x77: {  	_ =	shalt  }
0x78: {  	_ =	shalt  }
0x79: {  	_ =	shalt  }
0x7a: {  	_ =	shalt  }
0x7b: {  	_ =	shalt  }
0x7c: {  	_ =	shalt  }
0x7d: {  	_ =	shalt  }
0x7e: {  	_ =	shalt  }
0x7f: {  	_ =	shalt  }
0x80: {  	_ =	shalt  }
0x81: {  	_ =	shalt  }
0x82: {  	_ =	shalt  }
0x83: {  	_ =	shalt  }
0x84: {  	_ =	shalt  }
0x85: {  	_ =	shalt  }
0x86: {  	_ =	shalt  }
0x87: {  	_ =	shalt  }
.Lfunc_end0:
.L_simem_size_0:
called_computation_lowered:
.L_overlay_start_0:
0x88: {  	s2 =	sld [smem:$0x3FD9]  }
0x89: {  	s3 =	sld [smem:$0x3FFE];
	_ =	sdelay $0x1  }
0x8a: {  	s1 =	srdreg.scid  }
0x8b: {  	s0 =	sand.u32 $0x1, s1  }
0x8c: {  	s16 =	sshll.u32 s0, $0xA;
	s2 =	sadd.s32 s3, s2  }
0x8d: {  	s2 =	sadd.s32 s2, s16  }
0x8e: {  	[smem:$0x3FB6] =	sst s2  }
0x8f: {  	_ = 	snop  }
0x90: {  	(tm) =	ssettm $0x1  }
0x91: {  	s17 =	sld [smem:$0x3FFB];
	_ =	sdelay $0x3  }
0x92: {  	_ =	strace s17  }
0x93: {  	s2 =	sld [smem:$0x3FFC];
	_ =	sdelay $0x3  }
0x94: {  	_ =	strace s2  }
0x95: {  	s2 =	sld [smem:$0x3FFD];
	_ =	sdelay $0x3  }
0x96: {  	_ =	strace s2  }
0x97: {  	_ =	strace $0x8FFFFFFF  }
0x98: {  	s18 =	sld [smem:$0x3FDB];
	_ =	sdelay $0x1  }
0x99: {  	s19 =	simm.s32 $_scs_section_size  }
0x9a: {  	s4 =	simm.s32 $_size__tile_overlayer_lowered;
	s5 =	simm.s32 $_tile_overlayer_lowered  }
0x9b: {  	s22 =	simm.s32 $0x1BFF;
	s21 =	sshll.u32 s5, $0x1;
	s2 =	sadd.s32 s19, s18  }
0x9c: {  	s6 =	simm.s32 $0x0;
	s20 =	sshll.u32 s4, $0x1;
	s4 =	sadd.s32 s21, s2  }
0x9d: {  	[timem:s6], [sflag:s22] =	dma.local [hbm:s4], s20  }
0x9e: {  	_ =	swait.ge [sflag:s22], s20  }
0x9f: {  	s3 =	ssub.s32 $0x0, s20;
	[sflag:s22] =	ssyncset.done $0x0  }
0xa0: {  	[sflag:s22] =	ssyncadd.s32 s3;
	_ =	sdelay $0x1  }
0xa1: {  	s23 =	simm.s32 $0x1B8B  }
0xa2: {  	_ =	swait.ge [sflag:s23], $0x1  }
0xa3: {  	[sflag:s23] =	ssyncset.done $0x0  }
0xa4: {  	s25 =	simm.s32 $0x1B8E;
	s24 =	sld [smem:$0x3FFE];
	[sflag:s23] =	ssyncadd.s32 $0xFFFFFFFF  }
0xa5: {  	s26 =	simm.s32 $execute0_lowered;
	[smem:$0x3FD2] =	sst s25  }
0xa6: {  	s4 =	sshll.u32 s26, $0x1;
	_ =	strace $0x80000046;
	[dreg:$0x1] =	wrdreg $0xFFFFFFFF  }
0xa7: {  	s28 =	simm.s32 $_size_execute0_lowered;
	s2 =	sadd.s32 s2, s4;
	[dreg:$0x0] =	wrdreg $0x0  }
0xa8: {  	s4 =	sshll.u32 s28, $0x1;
	[dreg:$0x2] =	wrdreg s2  }
0xa9: {  	[dreg:$0x3] =	wrdreg s4  }
0xaa: {  	[dreg:$0x4] =	wrdreg $0xC0  }
0xab: {  	_ =	task [dreg:s6], $0x5FFFF  }
0xac: {  	[dreg:$0x1] =	wrdreg $0xFFFFFFFF  }
0xad: {  	[dreg:$0x0] =	wrdreg $0x60  }
0xae: {  	[dreg:$0x2] =	wrdreg s24  }
0xaf: {  	[dreg:$0x3] =	wrdreg $0xA8000  }
0xb0: {  	[dreg:$0x4] =	wrdreg $0x9  }
0xb1: {  	_ =	task.clear_ibuf [dreg:s6], $0x5FFFF;
	_ =	strace $0x90000046  }
0xb2: {  	s29 =	simm.s32 $0x9;
	_ =	strace $0x80000048  }
0xb3: {  	_ =	swait.ge [sflag:s29], $0x1  }
0xb4: {  	[sflag:s29] =	ssyncadd.s32 $0xFFFFFFFF  }
0xb5: {  	_ =	strace $0x90000048  }
0xb6: {  	_ =	sfence  }
0xb7: {  	s30 =	sld [smem:$0x0];
	_ =	sdelay $0x2  }
0xb8: {  	s31 =	sshll.u32 s1, $0xD;
	s1 =	sshrl.u32 s1, $0x2  }
0xb9: {  	s3 =	sand.u32 $0x4000, s31;
	s1 =	sadd.s32 s1, s30  }
0xba: {  	s0 =	sor.u32 s3, s0;
	s1 =	sshll.u32 s1, $0x11  }
0xbb: {  	s0 =	sor.u32 s1, s0  }
0xbc: {  	s0 =	sadd.s32 $0x8F2B, s0  }
0xbd: {  	[sflag:s0] =	ssyncadd.remote.s32 $0x1  }
0xbe: {  	_ =	sfence.sel $0xFFFF  }
0xbf: {  	[dreg:$0x0] =	wrdreg $0xFFFFFFFF;
	(pc) =	sbr.abs _section_cstart, $3  }
0xc0: {  	[dreg:$0x1] =	wrdreg $0xFFFFFFFF  }
0xc1: {  	_ =	task.clear_ibuf [dreg:s6], $0x2FFFF;
	_ =	strace $0x9FFFFFFF  }
0xc2: {  	(tm) =	ssettm $0x7FFFFFFF  }
0xc3: {  	_ =	shalt  }
tec
execute0_lowered:
.L_overlay_start_1:
0x0: {  	(tag) =	ssettag $0x1  }
0x1: {  	s6 =	rddreg [dreg:$0x0]  }
0x2: {  	s0 =	srdreg.scid;
	s2 =	rddreg [dreg:$0x1]  }
0x3: {  	s1 =	rddreg [dreg:$0x2];
	s3 =	simm.s32 $0x0;
	s14 =	simm.s32 $0x80  }
0x4: {  	s15 =	simm.s32 $0x2800;
	s16 =	simm.s32 $0x6800;
	s5 =	sand.u32 $0x1, s0  }
0x5: {  	s17 =	simm.s32 $0x1;
	s0 =	stileid.u32;
	s4 =	smul.u32 $0x14000, s5  }
0x6: {  	s18 =	simm.s32 $0x2;
	s19 =	simm.s32 $0x1380;
	s7 =	smul.u32 $0x1400, s0  }
0x7: {  	s20 =	simm.s32 $0x2700;
	s21 =	simm.s32 $0x2780;
	s8 =	smul.u32 $0x13C000, s5  }
0x8: {  	s22 =	simm.s32 $0x0;
	[smem:$0x7FF] =	sst s3;
	s26 =	smul.u32 $0x13C00, s0  }
0x9: {  	_ =	strace $0x80000047;
	s28 =	ssub.s32 $0x2, s5;
	s10 =	smul.u32 $0x4F000, s0  }
0xa: {  	s5 =	sadd.s32 $0x35C00, s6;
	s31 =	sshll.u32 s0, $0x6;
	s29 =	sshrl.u32 s28, $0x1  }
0xb: {  	s4 =	sadd.s32 s7, s4;
	s7 =	sadd.s32 s26, s8;
	s12 =	ssub.s32 s28, s29  }
0xc: {  	s30 =	sshrl.u32 s10, $0x2;
	s10 =	simm.s32 $0x3;
	s9 =	sshrl.u32 s4, $0x3  }
0xd: {  	s4 =	sadd.s32 $0xE400, s6;
	s7 =	sshrl.u32 s7, $0x3;
	s13 =	sadd.s32 s30, s2  }
0xe: {  	s9 =	sadd.s32 s9, s6;
	s11 =	sadd.s32 s7, s6;
	s13 =	sshrl.u32 s13, $0x3  }
0xf: {  	s6 =	sadd.s32 $0x4400, s9;
	s7 =	sadd.s32 $0x9400, s9;
	s8 =	sadd.s32 $0x38400, s11  }
0x10: {  	s9 =	smax.u32 s12, $0x1;
	s11 =	simm.s32 $0x1400;
	s12 =	sor.u32 $0x1C03, s31  }
.LBB2_1:
0x11: {  	[tilespmem:s3], [sflag:$0x3] =	stream.linear.gather [hbm4b:s6+s3], $0x1400, $0x38;
	[tilespmem:$0x1E400] =	vst v63  }
0x12: {  	_ =	swait.ge [sflag:s10], $0x1400  }
0x13: {  	[sflag:s10] =	ssyncset.done $0x0  }
0x14: {  	[sflag:s10] =	ssyncadd.s32 $0xFFFFEC00  }
0x15: {  	[tilespmem:s11], [sflag:$0x3] =	stream.linear.gather [hbm4b:s7+s3], $0x1400, $0x38;
	[tilespmem:$0x1E400] =	vst v63  }
0x16: {  	_ =	swait.ge [sflag:s10], $0x1400  }
0x17: {  	[sflag:s10] =	ssyncset.done $0x0  }
0x18: {  	[sflag:s10] =	ssyncadd.s32 $0xFFFFEC00  }
0x19: {  	[spmem:s13], [sflag:s12] =	dma.local [hbm:s5], $0x2780  }
0x1a: {  	_ =	swait.ge [sflag:s10], $0x2780  }
0x1b: {  	[sflag:s10] =	ssyncset.done $0x0  }
0x1c: {  	[sflag:s10] =	ssyncadd.s32 $0xFFFFD880  }
0x1d: {  	[bflag:$0x0] =	sbarrier.arrive $0xFFFF  }
0x1e: {  	[tilespmem:s15], [sflag:$0x1] =	stream.indirect.gather [hbm4b:s4+s14], $0x80, s3, s14, $0xb8;
	[tilespmem:$0x1E400] =	vst v63  }
0x1f: {  	s23 =	simm.s32 $0x80  }
0x20: {  	[tilespmem:s16], [sflag:$0x2] =	stream.indirect.gather [hbm4b:s4+s14], $0x80, s23, s14, $0xb8;
	[tilespmem:$0x1E400] =	vst v63  }
0x21: {  	_ =	swait.ge [sflag:s17], $0x4000  }
0x22: {  	[sflag:s17] =	ssyncset.done $0x0  }
0x23: {  	s29 =	simm.s32 $0x1400;
	[sflag:s17] =	ssyncadd.s32 $0xFFFFC000  }
0x24: {  	[spmem:s2] =	stream.indirect.scatter.add.f32 [tilespmem:s15], [sflag:$0x3], $0x80, s29, s14, $0xb8;
	[tilespmem:$0x1E400] =	vst v63  }
0x25: {  	_ =	swait.ge [sflag:s10], $0x4000  }
0x26: {  	[sflag:s10] =	ssyncset.done $0x0  }
0x27: {  	s30 =	simm.s32 $0x100;
	[sflag:s10] =	ssyncadd.s32 $0xFFFFC000  }
0x28: {  	[tilespmem:s15], [sflag:$0x1] =	stream.indirect.gather [hbm4b:s4+s14], $0x80, s30, s14, $0xb8;
	[tilespmem:$0x1E400] =	vst v63  }
0x29: {  	_ =	swait.ge [sflag:s18], $0x4000  }
0x2a: {  	[sflag:s18] =	ssyncset.done $0x0  }
0x2b: {  	s31 =	simm.s32 $0x1480;
	[sflag:s18] =	ssyncadd.s32 $0xFFFFC000  }
0x2c: {  	[spmem:s2] =	stream.indirect.scatter.add.f32 [tilespmem:s16], [sflag:$0x3], $0x80, s31, s14, $0xb8;
	[tilespmem:$0x1E400] =	vst v63  }
0x2d: {  	_ =	swait.ge [sflag:s10], $0x4000  }
0x2e: {  	s24 =	simm.s32 $0x800;
	s23 =	simm.s32 $0x100;
	[sflag:s10] =	ssyncset.done $0x0  }
.LBB2_2:
0x2f: {  	s25 =	sadd.s32 $0x80, s23  }
0x30: {  	[sflag:s10] =	ssyncadd.s32 $0xFFFFC000;
	s26 =	smov.u32 s24;
	s28 =	sadd.s32 $0x400, s24  }
0x31: {  	[tilespmem:s16], [sflag:$0x2] =	stream.indirect.gather [hbm4b:s4+s14], $0x80, s25, s14, $0xb8;
	[tilespmem:$0x1E400] =	vst v63  }
0x32: {  	p0 =	sne.s32 s24, $0x4800;
	_ =	swait.ge [sflag:s17], $0x4000  }
0x33: {  	[sflag:s17] =	ssyncset.done $0x0  }
0x34: {  	s24 =	sadd.s32 $0x1400, s23;
	[sflag:s17] =	ssyncadd.s32 $0xFFFFC000  }
0x35: {  	[spmem:s2] =	stream.indirect.scatter.add.f32 [tilespmem:s15], [sflag:$0x3], $0x80, s24, s14, $0xb8;
	[tilespmem:$0x1E400] =	vst v63  }
0x36: {  	_ =	swait.ge [sflag:s10], $0x4000  }
0x37: {  	[sflag:s10] =	ssyncset.done $0x0  }
0x38: {  	s24 =	sadd.s32 $0x100, s23;
	[sflag:s10] =	ssyncadd.s32 $0xFFFFC000  }
0x39: {  	[tilespmem:s15], [sflag:$0x1] =	stream.indirect.gather [hbm4b:s4+s14], $0x80, s24, s14, $0xb8;
	[tilespmem:$0x1E400] =	vst v63  }
0x3a: {  	_ =	swait.ge [sflag:s18], $0x4000  }
.Ltmp0:
0x3b: {  	[sflag:s18] =	ssyncset.done $0x0;
	(pc) =	sbr.rel @p0 .LBB2_2-.Ltmp0, $4  }
0x3c: {  	s23 =	sadd.s32 $0x1480, s23;
	[sflag:s18] =	ssyncadd.s32 $0xFFFFC000  }
0x3d: {  	[spmem:s2] =	stream.indirect.scatter.add.f32 [tilespmem:s16], [sflag:$0x3], $0x80, s23, s14, $0xb8;
	[tilespmem:$0x1E400] =	vst v63  }
0x3e: {  	_ =	swait.ge [sflag:s10], $0x4000  }
0x3f: {  	s24 =	smov.u32 s28;
	s23 =	sshra.s32 s26, $0x2;
	[sflag:s10] =	ssyncset.done $0x0  }
0x40: {  	s24 =	sadd.s32 $0x80, s23;
	[sflag:s10] =	ssyncadd.s32 $0xFFFFC000  }
0x41: {  	[tilespmem:s16], [sflag:$0x2] =	stream.indirect.gather [hbm4b:s4+s14], $0x80, s24, s14, $0xb8;
	[tilespmem:$0x1E400] =	vst v63  }
0x42: {  	_ =	swait.ge [sflag:s17], $0x4000  }
0x43: {  	[sflag:s17] =	ssyncset.done $0x0  }
0x44: {  	s29 =	sadd.s32 $0x1400, s23;
	[sflag:s17] =	ssyncadd.s32 $0xFFFFC000  }
0x45: {  	[spmem:s2] =	stream.indirect.scatter.add.f32 [tilespmem:s15], [sflag:$0x3], $0x80, s29, s14, $0xb8;
	[tilespmem:$0x1E400] =	vst v63  }
0x46: {  	_ =	swait.ge [sflag:s10], $0x4000  }
0x47: {  	[sflag:s10] =	ssyncset.done $0x0  }
0x48: {  	s30 =	sadd.s32 $0x100, s23;
	[sflag:s10] =	ssyncadd.s32 $0xFFFFC000  }
0x49: {  	[tilespmem:s15], [sflag:$0x1] =	stream.indirect.gather [hbm4b:s4+s14], $0x80, s30, s14, $0xb8;
	[tilespmem:$0x1E400] =	vst v63  }
0x4a: {  	_ =	swait.ge [sflag:s18], $0x4000  }
0x4b: {  	[sflag:s18] =	ssyncset.done $0x0  }
0x4c: {  	s31 =	sadd.s32 $0x1480, s23;
	[sflag:s18] =	ssyncadd.s32 $0xFFFFC000  }
0x4d: {  	[spmem:s2] =	stream.indirect.scatter.add.f32 [tilespmem:s16], [sflag:$0x3], $0x80, s31, s14, $0xb8;
	[tilespmem:$0x1E400] =	vst v63  }
0x4e: {  	_ =	swait.ge [sflag:s10], $0x4000  }
0x4f: {  	[sflag:s10] =	ssyncset.done $0x0  }
0x50: {  	[sflag:s10] =	ssyncadd.s32 $0xFFFFC000  }
0x51: {  	[tilespmem:s16], [sflag:$0x2] =	stream.indirect.gather [hbm4b:s4+s14], $0x80, s19, s14, $0xb8;
	[tilespmem:$0x1E400] =	vst v63  }
0x52: {  	_ =	swait.ge [sflag:s17], $0x4000  }
0x53: {  	[sflag:s17] =	ssyncset.done $0x0  }
0x54: {  	[sflag:s17] =	ssyncadd.s32 $0xFFFFC000  }
0x55: {  	[spmem:s2] =	stream.indirect.scatter.add.f32 [tilespmem:s15], [sflag:$0x3], $0x80, s20, s14, $0xb8;
	[tilespmem:$0x1E400] =	vst v63  }
0x56: {  	_ =	swait.ge [sflag:s10], $0x4000  }
0x57: {  	[sflag:s10] =	ssyncset.done $0x0  }
0x58: {  	[sflag:s10] =	ssyncadd.s32 $0xFFFFC000  }
0x59: {  	_ =	swait.ge [sflag:s18], $0x4000  }
0x5a: {  	[sflag:s18] =	ssyncset.done $0x0  }
0x5b: {  	[sflag:s18] =	ssyncadd.s32 $0xFFFFC000  }
0x5c: {  	[spmem:s2] =	stream.indirect.scatter.add.f32 [tilespmem:s16], [sflag:$0x3], $0x80, s21, s14, $0xb8;
	[tilespmem:$0x1E400] =	vst v63  }
0x5d: {  	_ =	swait.ge [sflag:s10], $0x4000  }
0x5e: {  	s22 =	sadd.s32 $0x1, s22;
	[sflag:s10] =	ssyncset.done $0x0  }
0x5f: {  	p0 =	sne.s32 s22, s9;
	[sflag:s10] =	ssyncadd.s32 $0xFFFFC000  }
.Ltmp1:
0x60: {  	[bflag:$0x0] =	sbarrier.arrive $0xFFFF;
	(pc) =	sbr.rel @p0 .LBB2_1-.Ltmp1, $4  }
0x61: {  	[hbm:s8], [sflag:s12] =	dma.local [spmem:s13], $0x2780  }
0x62: {  	_ =	swait.ge [sflag:s10], $0x2780  }
0x63: {  	[sflag:s10] =	ssyncset.done $0x0  }
0x64: {  	[sflag:s10] =	ssyncadd.s32 $0xFFFFD880  }
0x65: {  	_ =	sfence.sel $0x180000  }
0x66: {  	[bflag:$0x0] =	sbarrier.arrive $0xFFFF  }
0x67: {  	p0 =	sne.s32 s0, $0x0;
	_ =	strace $0x90000047  }
0x68: {  	s0 =	sadd.s32 @!p0 $0x100000, s1;
	[bflag:$0x2] =	sbarrier.arrive $0xFFFF  }
0x69: {  	[sflag:s0] =	ssyncadd.tile.s32 @!p0 $0x1;
	_ =	shalt  }
.Lfunc_end2:
_tile_overlayer_lowered:
.L_overlay_start_2:
0x6a: {  	(tag) =	ssettag $0x2  }
0x6b: {  	s0 =	rddreg [dreg:$0x0];
	s2 =	stileid.u32  }
0x6c: {  	s1 =	rddreg [dreg:$0x1];
	p0 =	sne.s32 s2, $0x0  }
0x6d: {  	s3 =	rddreg [dreg:$0x2];
	[bflag:$0x3] =	sbarrier.arrive $0xFFFF;
	s2 =	simm.s32 @!p0 $0x1C03  }
0x6e: {  	[timem:s3], [sflag:s2] =	dma.local @!p0 [hbm:s0], s1  }
0x6f: {  	s0 =	simm.s32 @!p0 $0x3  }
0x70: {  	_ =	swait.ge @!p0 [sflag:s0], s1  }
0x71: {  	s1 =	ssub.s32 @!p0 $0x0, s1;
	[sflag:s0] =	ssyncset.done @!p0 $0x0  }
0x72: {  	[sflag:s0] =	ssyncadd.s32 @!p0 s1  }
0x73: {  	[bflag:$0x3] =	sbarrier.arrive $0xFFFF  }
0x74: {  	_ =	shalt  }

</sc_bundles>
